<compile_context>
chip_gen: v7x
topology: tpu7x:2x2x1
jax: 0.10.2.dev20260603
libtpu: 0.0.44.dev20260713+nightly
codegen_flags: <defaults>
</compile_context>

<pallas_src>
import functools

import jax
import jax.numpy as jnp
from jax import lax
from jax.experimental import pallas as pl
from jax.experimental.pallas import tpu as pltpu
from jax.experimental.pallas import tpu_sc as plsc

NUM_CODES = 8192
DIM = 256
TOKENS = 8192
COMMITMENT = 0.25

TT = 256
CT = 1024
NTILES = TOKENS // TT
NCHUNK = NUM_CODES // CT

SC_CORES = 2
SC_SUBCORES = 16
SC_WORKERS = SC_CORES * SC_SUBCORES
TOK_PER_W = TOKENS // SC_WORKERS
GCHUNK = 128
NGC = TOK_PER_W // GCHUNK


def _argmin_body(x_ref, a_ref, b_ref, emb_ref, idx_ref, dmin_ref):
    xb = x_ref[...].astype(jnp.bfloat16)
    a = a_ref[...]
    iota = lax.broadcasted_iota(jnp.int32, (TT, CT), 1)

    def chunk(k, carry):
        bv, bi = carry
        eb = emb_ref[pl.ds(k * CT, CT), :].astype(jnp.bfloat16)
        bb = b_ref[:, pl.ds(k * CT, CT)]
        c = lax.dot_general(xb, eb, (((1,), (1,)), ((), ())),
                            preferred_element_type=jnp.float32)
        score = bb - 2.0 * c
        m = jnp.min(score, axis=1)
        lidx = jnp.min(jnp.where(score == m[:, None], iota, NUM_CODES),
                       axis=1) + k * CT
        upd = m < bv
        return jnp.where(upd, m, bv), jnp.where(upd, lidx, bi)

    bv0 = jnp.full((TT,), jnp.inf, jnp.float32)
    bi0 = jnp.zeros((TT,), jnp.int32)
    bv, bi = lax.fori_loop(0, NCHUNK, chunk, (bv0, bi0))
    idx_ref[0, 0, :] = bi
    dmin_ref[0, 0, :] = bv + a[:, 0]


def _argmin_call(x_flat, a, b, emb):
    return pl.pallas_call(
        _argmin_body,
        grid=(NTILES,),
        in_specs=[
            pl.BlockSpec((TT, DIM), lambda i: (i, 0)),
            pl.BlockSpec((TT, 1), lambda i: (i, 0)),
            pl.BlockSpec((1, NUM_CODES), lambda i: (0, 0)),
            pl.BlockSpec((NUM_CODES, DIM), lambda i: (0, 0)),
        ],
        out_specs=[
            pl.BlockSpec((1, 1, TT), lambda i: (i, 0, 0)),
            pl.BlockSpec((1, 1, TT), lambda i: (i, 0, 0)),
        ],
        out_shape=[
            jax.ShapeDtypeStruct((NTILES, 1, TT), jnp.int32),
            jax.ShapeDtypeStruct((NTILES, 1, TT), jnp.float32),
        ],
    )(x_flat, a, b, emb)


def _sc_body(idx_hbm, emb_hbm, out_hbm, counts_hbm,
             idx_v, rows_v, zeros_v, ones_v, counts_sh, sem):
    c = lax.axis_index("c")
    s = lax.axis_index("s")
    wid = c * SC_SUBCORES + s
    base = wid * TOK_PER_W

    for j in range(NGC):
        pltpu.sync_copy(idx_hbm.at[pl.ds(base + j * GCHUNK, GCHUNK)],
                        idx_v.at[j])
    copies = [pltpu.async_copy(emb_hbm.at[idx_v.at[j]], rows_v.at[j], sem)
              for j in range(NGC)]

    for t in range(512 // 16):
        zeros_v[pl.ds(t * 16, 16)] = jnp.zeros((16,), jnp.float32)
    for t in range(GCHUNK // 16):
        ones_v[pl.ds(t * 16, 16)] = jnp.ones((16,), jnp.float32)
    pltpu.sync_copy(zeros_v, counts_sh.at[pl.ds(s * 512, 512)])
    plsc.subcore_barrier()

    for j in range(NGC):
        pltpu.sync_copy(ones_v, counts_sh.at[idx_v.at[j]], add=True)

    for cp in copies:
        cp.wait()
    for j in range(NGC):
        pltpu.sync_copy(rows_v.at[j],
                        out_hbm.at[pl.ds(base + j * GCHUNK, GCHUNK)])

    plsc.subcore_barrier()

    @pl.when(s == 0)
    def _():
        pltpu.sync_copy(counts_sh, counts_hbm.at[c])


@functools.cache
def _sc_gather_hist():
    return functools.partial(
        pl.kernel,
        out_type=[
            jax.ShapeDtypeStruct((TOKENS, DIM), jnp.float32),
            jax.ShapeDtypeStruct((SC_CORES, NUM_CODES), jnp.float32),
        ],
        mesh=plsc.VectorSubcoreMesh(core_axis_name="c", subcore_axis_name="s"),
        scratch_types=[
            pltpu.VMEM((NGC, GCHUNK), jnp.int32),
            pltpu.VMEM((NGC, GCHUNK, DIM), jnp.float32),
            pltpu.VMEM((512,), jnp.float32),
            pltpu.VMEM((GCHUNK,), jnp.float32),
            pltpu.VMEM_SHARED((NUM_CODES,), jnp.float32),
            pltpu.SemaphoreType.DMA,
        ],
    )(_sc_body)


def _final_body(counts_ref, dmin_ref, loss_ref, perp_ref):
    counts = counts_ref[0, :] + counts_ref[1, :]
    avg = counts * (1.0 / TOKENS)
    ent = -jnp.sum(avg * jnp.log(avg + 1e-10))
    perp_ref[...] = jnp.exp(ent).reshape(1, 1)
    m = jnp.sum(dmin_ref[...]) / (TOKENS * DIM)
    loss_ref[...] = (m + COMMITMENT * m).reshape(1, 1)


def _final_call(counts, dmin):
    return pl.pallas_call(
        _final_body,
        out_shape=[
            jax.ShapeDtypeStruct((1, 1), jnp.float32),
            jax.ShapeDtypeStruct((1, 1), jnp.float32),
        ],
    )(counts, dmin)


def kernel(x, embedding):
    x_flat = x.reshape(-1, DIM)
    a = jnp.sum(x_flat ** 2, axis=1, keepdims=True)
    b = jnp.sum(embedding ** 2, axis=1).reshape(1, NUM_CODES)

    idx3, dmin3 = _argmin_call(x_flat, a, b, embedding)
    idx = idx3.reshape(TOKENS)

    quantized_flat, counts = _sc_gather_hist()(idx, embedding)
    loss2, perp2 = _final_call(counts, dmin3)

    quantized_st = quantized_flat.reshape(x.shape)
    return (quantized_st, loss2[0, 0], perp2[0, 0])

# --- scband reference (transcript-rebuilt; emitter-appended) ---
"""Pipeline reference for scband-vector-quantizer-16441134809238 (READ-ONLY COPY).

The authoritative reference and input builder live on the scoring server;
editing this copy changes nothing except your own understanding.
"""

import jax, jax.numpy as jnp
import numpy as np

NUM_EMBEDDINGS = 8192
EMBEDDING_DIM = 256
COMMITMENT_COST = 0.25

def setup_inputs(seed: int = 0) -> dict:
    key = jax.random.key(seed)
    k1, k2 = jax.random.split(key)
    x = jax.random.normal(k1, (8, 1024, 256), dtype=jnp.float32)
    init_bound = 1.0 / NUM_EMBEDDINGS
    embedding = jax.random.uniform(k2, (NUM_EMBEDDINGS, EMBEDDING_DIM), dtype=jnp.float32, minval=-init_bound, maxval=init_bound)
    return {"x": x, "embedding": embedding}

def reference(x, embedding):
    # dim = -1, so moveaxis is a no-op; flatten tokens
    x_flat = jax.lax.stop_gradient(x).reshape(-1, EMBEDDING_DIM)
    # distances = ||x||^2 + ||e||^2 - 2 x e^T  (torch.addmm with beta=1, alpha=-2)
    distances = (jnp.sum(x_flat ** 2, axis=1, keepdims=True)
                 + jnp.sum(embedding ** 2, axis=1)
                 - 2.0 * (x_flat @ embedding.T))
    encodings_indices = jnp.argmin(distances, axis=1)
    quantized_flat = jnp.take(embedding, encodings_indices, axis=0)
    encodings_one_hot_flat = jax.nn.one_hot(encodings_indices, NUM_EMBEDDINGS, dtype=jnp.float32)
    quantized = quantized_flat.reshape(x.shape)
    e_latent_loss = jnp.mean((jax.lax.stop_gradient(quantized) - x) ** 2)
    q_latent_loss = jnp.mean((quantized - jax.lax.stop_gradient(x)) ** 2)
    loss = q_latent_loss + COMMITMENT_COST * e_latent_loss
    quantized_st = x + jax.lax.stop_gradient(quantized - x)
    avg_probs = jnp.mean(encodings_one_hot_flat, axis=0)
    perplexity = jnp.exp(-jnp.sum(avg_probs * jnp.log(avg_probs + 1e-10)))
    return (quantized_st, loss, perplexity)

if __name__ == "__main__":
    import jax
    _d = setup_inputs()
    print(jax.jit(kernel)(*tuple(_d.values())))

</pallas_src>

<mosaic_0001>
#map = affine_map<(d0, d1) -> (0)>
#map1 = affine_map<(d0, d1) -> (0, 0)>
module attributes {stable_mosaic.version = 14 : i64} {
  func.func @_sc_body(%arg0: i32, %arg1: i32, %arg2: memref<8192xi32, #tpu.memory_space<hbm>>, %arg3: memref<8192x256xf32, #tpu.memory_space<hbm>>, %arg4: memref<8192x256xf32, #tpu.memory_space<hbm>>, %arg5: memref<2x8192xf32, #tpu.memory_space<hbm>>, %arg6: memref<2x128xi32, #tpu.memory_space<vmem>>, %arg7: memref<2x128x256xf32, #tpu.memory_space<vmem>>, %arg8: memref<512xf32, #tpu.memory_space<vmem>>, %arg9: memref<128xf32, #tpu.memory_space<vmem>>, %arg10: memref<8192xf32, #tpu.memory_space<vmem_shared>>, %arg11: memref<!tpu.dma_semaphore, #tpu.memory_space<semaphore_mem>>) attributes {dimension_semantics = [#tpu.dimension_semantics<core_parallel>, #tpu.dimension_semantics<subcore_parallel>], iteration_bounds = array<i64: 2, 16>, scalar_prefetch = 0 : i64, scratch_operands = 6 : i64, tpu.core_type = #tpu.core_type<sc_vector_subcore>, window_params = [{transform_indices = #map}, {transform_indices = #map1}, {transform_indices = #map1}, {transform_indices = #map1}]} {
    %mul3A = arith.constant 16 : i32
    %mul3A_0 = arith.muli %arg0, %mul3A : i32
    %add3A = arith.addi %mul3A_0, %arg1 : i32
    %mul3A_1 = arith.constant 256 : i32
    %mul3A_2 = arith.muli %add3A, %mul3A_1 : i32
    %add3A_3 = arith.constant 0 : i32
    %add3A_4 = arith.addi %mul3A_2, %add3A_3 : i32
    %run_scoped3A = arith.constant 0 : i32
    "tpu.region"() ({
      %run_scoped3A_305 = tpu.sem_alloc : memref<!tpu.dma_semaphore, #tpu.memory_space<semaphore_mem>>
      %dma_start3A_306 = arith.constant 0 : i32
      %dma_start3A_307 = tpu.memref_slice %arg6[%run_scoped3A, %dma_start3A_306] : memref<2x128xi32, #tpu.memory_space<vmem>> -> memref<1x128xi32, #tpu.memory_space<vmem>>
      %dma_start3A_308 = tpu.memref_squeeze %dma_start3A_307 : memref<1x128xi32, #tpu.memory_space<vmem>> -> memref<128xi32, #tpu.memory_space<vmem>>
      %dma_start3A_309 = tpu.memref_slice %arg2[%add3A_4] : memref<8192xi32, #tpu.memory_space<hbm>> -> memref<128xi32, #tpu.memory_space<hbm>>
      %dma_start3A_310 = arith.constant 0 : i32
      %dma_start3A_311 = tpu.memref_slice %arg6[%run_scoped3A, %dma_start3A_310] : memref<2x128xi32, #tpu.memory_space<vmem>> -> memref<1x128xi32, #tpu.memory_space<vmem>>
      %dma_start3A_312 = tpu.memref_squeeze %dma_start3A_311 : memref<1x128xi32, #tpu.memory_space<vmem>> -> memref<128xi32, #tpu.memory_space<vmem>>
      %dma_start3A_313 = tpu.memref_slice %arg2[%add3A_4] : memref<8192xi32, #tpu.memory_space<hbm>> -> memref<128xi32, #tpu.memory_space<hbm>>
      tpu.enqueue_dma source(%dma_start3A_313 : memref<128xi32, #tpu.memory_space<hbm>>) target(%dma_start3A_312 : memref<128xi32, #tpu.memory_space<vmem>>) target_semaphore(%run_scoped3A_305 : memref<!tpu.dma_semaphore, #tpu.memory_space<semaphore_mem>>)
      %dma_wait3A_314 = arith.constant 0 : i32
      %dma_wait3A_315 = tpu.memref_slice %arg6[%run_scoped3A, %dma_wait3A_314] : memref<2x128xi32, #tpu.memory_space<vmem>> -> memref<1x128xi32, #tpu.memory_space<vmem>>
      %dma_wait3A_316 = tpu.memref_squeeze %dma_wait3A_315 : memref<1x128xi32, #tpu.memory_space<vmem>> -> memref<128xi32, #tpu.memory_space<vmem>>
      %dma_wait3A_317 = tpu.memref_slice %arg2[%add3A_4] : memref<8192xi32, #tpu.memory_space<hbm>> -> memref<128xi32, #tpu.memory_space<hbm>>
      %dma_wait3A_318 = arith.constant 0 : i32
      %dma_wait3A_319 = tpu.memref_slice %arg6[%run_scoped3A, %dma_wait3A_318] : memref<2x128xi32, #tpu.memory_space<vmem>> -> memref<1x128xi32, #tpu.memory_space<vmem>>
      %dma_wait3A_320 = tpu.memref_squeeze %dma_wait3A_319 : memref<1x128xi32, #tpu.memory_space<vmem>> -> memref<128xi32, #tpu.memory_space<vmem>>
      %dma_wait3A_321 = tpu.memref_slice %arg2[%add3A_4] : memref<8192xi32, #tpu.memory_space<hbm>> -> memref<128xi32, #tpu.memory_space<hbm>>
      tpu.wait_dma2 semaphore(%run_scoped3A_305 : memref<!tpu.dma_semaphore, #tpu.memory_space<semaphore_mem>>) src(%dma_wait3A_321 : memref<128xi32, #tpu.memory_space<hbm>>) dst(%dma_wait3A_320 : memref<128xi32, #tpu.memory_space<vmem>>)
      tpu.yield
    }) : () -> ()
    %add3A_5 = arith.constant 128 : i32
    %add3A_6 = arith.addi %mul3A_2, %add3A_5 : i32
    %run_scoped3A_7 = arith.constant 1 : i32
    "tpu.region"() ({
      %run_scoped3A_305 = tpu.sem_alloc : memref<!tpu.dma_semaphore, #tpu.memory_space<semaphore_mem>>
      %dma_start3A_306 = arith.constant 0 : i32
      %dma_start3A_307 = tpu.memref_slice %arg6[%run_scoped3A_7, %dma_start3A_306] : memref<2x128xi32, #tpu.memory_space<vmem>> -> memref<1x128xi32, #tpu.memory_space<vmem>>
      %dma_start3A_308 = tpu.memref_squeeze %dma_start3A_307 : memref<1x128xi32, #tpu.memory_space<vmem>> -> memref<128xi32, #tpu.memory_space<vmem>>
      %dma_start3A_309 = tpu.memref_slice %arg2[%add3A_6] : memref<8192xi32, #tpu.memory_space<hbm>> -> memref<128xi32, #tpu.memory_space<hbm>>
      %dma_start3A_310 = arith.constant 0 : i32
      %dma_start3A_311 = tpu.memref_slice %arg6[%run_scoped3A_7, %dma_start3A_310] : memref<2x128xi32, #tpu.memory_space<vmem>> -> memref<1x128xi32, #tpu.memory_space<vmem>>
      %dma_start3A_312 = tpu.memref_squeeze %dma_start3A_311 : memref<1x128xi32, #tpu.memory_space<vmem>> -> memref<128xi32, #tpu.memory_space<vmem>>
      %dma_start3A_313 = tpu.memref_slice %arg2[%add3A_6] : memref<8192xi32, #tpu.memory_space<hbm>> -> memref<128xi32, #tpu.memory_space<hbm>>
      tpu.enqueue_dma source(%dma_start3A_313 : memref<128xi32, #tpu.memory_space<hbm>>) target(%dma_start3A_312 : memref<128xi32, #tpu.memory_space<vmem>>) target_semaphore(%run_scoped3A_305 : memref<!tpu.dma_semaphore, #tpu.memory_space<semaphore_mem>>)
      %dma_wait3A_314 = arith.constant 0 : i32
      %dma_wait3A_315 = tpu.memref_slice %arg6[%run_scoped3A_7, %dma_wait3A_314] : memref<2x128xi32, #tpu.memory_space<vmem>> -> memref<1x128xi32, #tpu.memory_space<vmem>>
      %dma_wait3A_316 = tpu.memref_squeeze %dma_wait3A_315 : memref<1x128xi32, #tpu.memory_space<vmem>> -> memref<128xi32, #tpu.memory_space<vmem>>
      %dma_wait3A_317 = tpu.memref_slice %arg2[%add3A_6] : memref<8192xi32, #tpu.memory_space<hbm>> -> memref<128xi32, #tpu.memory_space<hbm>>
      %dma_wait3A_318 = arith.constant 0 : i32
      %dma_wait3A_319 = tpu.memref_slice %arg6[%run_scoped3A_7, %dma_wait3A_318] : memref<2x128xi32, #tpu.memory_space<vmem>> -> memref<1x128xi32, #tpu.memory_space<vmem>>
      %dma_wait3A_320 = tpu.memref_squeeze %dma_wait3A_319 : memref<1x128xi32, #tpu.memory_space<vmem>> -> memref<128xi32, #tpu.memory_space<vmem>>
      %dma_wait3A_321 = tpu.memref_slice %arg2[%add3A_6] : memref<8192xi32, #tpu.memory_space<hbm>> -> memref<128xi32, #tpu.memory_space<hbm>>
      tpu.wait_dma2 semaphore(%run_scoped3A_305 : memref<!tpu.dma_semaphore, #tpu.memory_space<semaphore_mem>>) src(%dma_wait3A_321 : memref<128xi32, #tpu.memory_space<hbm>>) dst(%dma_wait3A_320 : memref<128xi32, #tpu.memory_space<vmem>>)
      tpu.yield
    }) : () -> ()
    %dma_start3A = arith.constant 0 : i32
    %dma_start3A_8 = arith.constant 0 : i32
    %dma_start3A_9 = arith.constant 0 : i32
    %dma_start3A_10 = arith.constant 0 : i32
    %dma_start3A_11 = tpu.memref_slice %arg7[%dma_start3A_8, %dma_start3A_9, %dma_start3A_10] : memref<2x128x256xf32, #tpu.memory_space<vmem>> -> memref<1x128x256xf32, #tpu.memory_space<vmem>>
    %dma_start3A_12 = tpu.memref_squeeze %dma_start3A_11 : memref<1x128x256xf32, #tpu.memory_space<vmem>> -> memref<128x256xf32, #tpu.memory_space<vmem>>
    %dma_start3A_13 = arith.constant 0 : i32
    %dma_start3A_14 = tpu.memref_slice %arg6[%dma_start3A, %dma_start3A_13] : memref<2x128xi32, #tpu.memory_space<vmem>> -> memref<1x128xi32, #tpu.memory_space<vmem>>
    %dma_start3A_15 = tpu.memref_squeeze %dma_start3A_14 : memref<1x128xi32, #tpu.memory_space<vmem>> -> memref<128xi32, #tpu.memory_space<vmem>>
    %dma_start3A_16 = arith.constant 0 : i32
    %dma_start3A_17 = arith.constant 0 : i32
    %dma_start3A_18 = tpu.memref_slice %arg3[%dma_start3A_16, %dma_start3A_17] : memref<8192x256xf32, #tpu.memory_space<hbm>> -> memref<8192x256xf32, #tpu.memory_space<hbm>>
    tpu.enqueue_indirect_dma source(%dma_start3A_18 : memref<8192x256xf32, #tpu.memory_space<hbm>>) target(%dma_start3A_12 : memref<128x256xf32, #tpu.memory_space<vmem>>) offsets(%dma_start3A_15 : memref<128xi32, #tpu.memory_space<vmem>>) semaphore(%arg11 : memref<!tpu.dma_semaphore, #tpu.memory_space<semaphore_mem>>)
    %dma_start3A_19 = arith.constant 1 : i32
    %dma_start3A_20 = arith.constant 1 : i32
    %dma_start3A_21 = arith.constant 0 : i32
    %dma_start3A_22 = arith.constant 0 : i32
    %dma_start3A_23 = tpu.memref_slice %arg7[%dma_start3A_20, %dma_start3A_21, %dma_start3A_22] : memref<2x128x256xf32, #tpu.memory_space<vmem>> -> memref<1x128x256xf32, #tpu.memory_space<vmem>>
    %dma_start3A_24 = tpu.memref_squeeze %dma_start3A_23 : memref<1x128x256xf32, #tpu.memory_space<vmem>> -> memref<128x256xf32, #tpu.memory_space<vmem>>
    %dma_start3A_25 = arith.constant 0 : i32
    %dma_start3A_26 = tpu.memref_slice %arg6[%dma_start3A_19, %dma_start3A_25] : memref<2x128xi32, #tpu.memory_space<vmem>> -> memref<1x128xi32, #tpu.memory_space<vmem>>
    %dma_start3A_27 = tpu.memref_squeeze %dma_start3A_26 : memref<1x128xi32, #tpu.memory_space<vmem>> -> memref<128xi32, #tpu.memory_space<vmem>>
    %dma_start3A_28 = arith.constant 0 : i32
    %dma_start3A_29 = arith.constant 0 : i32
    %dma_start3A_30 = tpu.memref_slice %arg3[%dma_start3A_28, %dma_start3A_29] : memref<8192x256xf32, #tpu.memory_space<hbm>> -> memref<8192x256xf32, #tpu.memory_space<hbm>>
    tpu.enqueue_indirect_dma source(%dma_start3A_30 : memref<8192x256xf32, #tpu.memory_space<hbm>>) target(%dma_start3A_24 : memref<128x256xf32, #tpu.memory_space<vmem>>) offsets(%dma_start3A_27 : memref<128xi32, #tpu.memory_space<vmem>>) semaphore(%arg11 : memref<!tpu.dma_semaphore, #tpu.memory_space<semaphore_mem>>)
    %broadcast_in_dim3A = arith.constant 0.000000e+00 : f32
    %broadcast_in_dim3A_31 = vector.broadcast %broadcast_in_dim3A : f32 to vector<16xf32>
    %swap3A = arith.constant 0 : index
    %swap3A_32 = tpu.vector_load %arg8[%swap3A] {strides = array<i32>} : memref<512xf32, #tpu.memory_space<vmem>>, vector<16xf32>,
    %swap3A_33 = vector.shape_cast %swap3A_32 : vector<16xf32> to vector<16xf32>
    %swap3A_34 = vector.shape_cast %broadcast_in_dim3A_31 : vector<16xf32> to vector<16xf32>
    tpu.vector_store %arg8[%swap3A], %swap3A_34 {strides = array<i32>} : memref<512xf32, #tpu.memory_space<vmem>>, vector<16xf32>,
    %broadcast_in_dim3A_35 = arith.constant 0.000000e+00 : f32
    %broadcast_in_dim3A_36 = vector.broadcast %broadcast_in_dim3A_35 : f32 to vector<16xf32>
    %swap3A_37 = arith.constant 16 : index
    %swap3A_38 = tpu.vector_load %arg8[%swap3A_37] {strides = array<i32>} : memref<512xf32, #tpu.memory_space<vmem>>, vector<16xf32>,
    %swap3A_39 = vector.shape_cast %swap3A_38 : vector<16xf32> to vector<16xf32>
    %swap3A_40 = vector.shape_cast %broadcast_in_dim3A_36 : vector<16xf32> to vector<16xf32>
    tpu.vector_store %arg8[%swap3A_37], %swap3A_40 {strides = array<i32>} : memref<512xf32, #tpu.memory_space<vmem>>, vector<16xf32>,
    %broadcast_in_dim3A_41 = arith.constant 0.000000e+00 : f32
    %broadcast_in_dim3A_42 = vector.broadcast %broadcast_in_dim3A_41 : f32 to vector<16xf32>
    %swap3A_43 = arith.constant 32 : index
    %swap3A_44 = tpu.vector_load %arg8[%swap3A_43] {strides = array<i32>} : memref<512xf32, #tpu.memory_space<vmem>>, vector<16xf32>,
    %swap3A_45 = vector.shape_cast %swap3A_44 : vector<16xf32> to vector<16xf32>
    %swap3A_46 = vector.shape_cast %broadcast_in_dim3A_42 : vector<16xf32> to vector<16xf32>
    tpu.vector_store %arg8[%swap3A_43], %swap3A_46 {strides = array<i32>} : memref<512xf32, #tpu.memory_space<vmem>>, vector<16xf32>,
    %broadcast_in_dim3A_47 = arith.constant 0.000000e+00 : f32
    %broadcast_in_dim3A_48 = vector.broadcast %broadcast_in_dim3A_47 : f32 to vector<16xf32>
    %swap3A_49 = arith.constant 48 : index
    %swap3A_50 = tpu.vector_load %arg8[%swap3A_49] {strides = array<i32>} : memref<512xf32, #tpu.memory_space<vmem>>, vector<16xf32>,
    %swap3A_51 = vector.shape_cast %swap3A_50 : vector<16xf32> to vector<16xf32>
    %swap3A_52 = vector.shape_cast %broadcast_in_dim3A_48 : vector<16xf32> to vector<16xf32>
    tpu.vector_store %arg8[%swap3A_49], %swap3A_52 {strides = array<i32>} : memref<512xf32, #tpu.memory_space<vmem>>, vector<16xf32>,
    %broadcast_in_dim3A_53 = arith.constant 0.000000e+00 : f32
    %broadcast_in_dim3A_54 = vector.broadcast %broadcast_in_dim3A_53 : f32 to vector<16xf32>
    %swap3A_55 = arith.constant 64 : index
    %swap3A_56 = tpu.vector_load %arg8[%swap3A_55] {strides = array<i32>} : memref<512xf32, #tpu.memory_space<vmem>>, vector<16xf32>,
    %swap3A_57 = vector.shape_cast %swap3A_56 : vector<16xf32> to vector<16xf32>
    %swap3A_58 = vector.shape_cast %broadcast_in_dim3A_54 : vector<16xf32> to vector<16xf32>
    tpu.vector_store %arg8[%swap3A_55], %swap3A_58 {strides = array<i32>} : memref<512xf32, #tpu.memory_space<vmem>>, vector<16xf32>,
    %broadcast_in_dim3A_59 = arith.constant 0.000000e+00 : f32
    %broadcast_in_dim3A_60 = vector.broadcast %broadcast_in_dim3A_59 : f32 to vector<16xf32>
    %swap3A_61 = arith.constant 80 : index
    %swap3A_62 = tpu.vector_load %arg8[%swap3A_61] {strides = array<i32>} : memref<512xf32, #tpu.memory_space<vmem>>, vector<16xf32>,
    %swap3A_63 = vector.shape_cast %swap3A_62 : vector<16xf32> to vector<16xf32>
    %swap3A_64 = vector.shape_cast %broadcast_in_dim3A_60 : vector<16xf32> to vector<16xf32>
    tpu.vector_store %arg8[%swap3A_61], %swap3A_64 {strides = array<i32>} : memref<512xf32, #tpu.memory_space<vmem>>, vector<16xf32>,
    %broadcast_in_dim3A_65 = arith.constant 0.000000e+00 : f32
    %broadcast_in_dim3A_66 = vector.broadcast %broadcast_in_dim3A_65 : f32 to vector<16xf32>
    %swap3A_67 = arith.constant 96 : index
    %swap3A_68 = tpu.vector_load %arg8[%swap3A_67] {strides = array<i32>} : memref<512xf32, #tpu.memory_space<vmem>>, vector<16xf32>,
    %swap3A_69 = vector.shape_cast %swap3A_68 : vector<16xf32> to vector<16xf32>
    %swap3A_70 = vector.shape_cast %broadcast_in_dim3A_66 : vector<16xf32> to vector<16xf32>
    tpu.vector_store %arg8[%swap3A_67], %swap3A_70 {strides = array<i32>} : memref<512xf32, #tpu.memory_space<vmem>>, vector<16xf32>,
    %broadcast_in_dim3A_71 = arith.constant 0.000000e+00 : f32
    %broadcast_in_dim3A_72 = vector.broadcast %broadcast_in_dim3A_71 : f32 to vector<16xf32>
    %swap3A_73 = arith.constant 112 : index
    %swap3A_74 = tpu.vector_load %arg8[%swap3A_73] {strides = array<i32>} : memref<512xf32, #tpu.memory_space<vmem>>, vector<16xf32>,
    %swap3A_75 = vector.shape_cast %swap3A_74 : vector<16xf32> to vector<16xf32>
    %swap3A_76 = vector.shape_cast %broadcast_in_dim3A_72 : vector<16xf32> to vector<16xf32>
    tpu.vector_store %arg8[%swap3A_73], %swap3A_76 {strides = array<i32>} : memref<512xf32, #tpu.memory_space<vmem>>, vector<16xf32>,
    %broadcast_in_dim3A_77 = arith.constant 0.000000e+00 : f32
    %broadcast_in_dim3A_78 = vector.broadcast %broadcast_in_dim3A_77 : f32 to vector<16xf32>
    %swap3A_79 = arith.constant 128 : index
    %swap3A_80 = tpu.vector_load %arg8[%swap3A_79] {strides = array<i32>} : memref<512xf32, #tpu.memory_space<vmem>>, vector<16xf32>,
    %swap3A_81 = vector.shape_cast %swap3A_80 : vector<16xf32> to vector<16xf32>
    %swap3A_82 = vector.shape_cast %broadcast_in_dim3A_78 : vector<16xf32> to vector<16xf32>
    tpu.vector_store %arg8[%swap3A_79], %swap3A_82 {strides = array<i32>} : memref<512xf32, #tpu.memory_space<vmem>>, vector<16xf32>,
    %broadcast_in_dim3A_83 = arith.constant 0.000000e+00 : f32
    %broadcast_in_dim3A_84 = vector.broadcast %broadcast_in_dim3A_83 : f32 to vector<16xf32>
    %swap3A_85 = arith.constant 144 : index
    %swap3A_86 = tpu.vector_load %arg8[%swap3A_85] {strides = array<i32>} : memref<512xf32, #tpu.memory_space<vmem>>, vector<16xf32>,
    %swap3A_87 = vector.shape_cast %swap3A_86 : vector<16xf32> to vector<16xf32>
    %swap3A_88 = vector.shape_cast %broadcast_in_dim3A_84 : vector<16xf32> to vector<16xf32>
    tpu.vector_store %arg8[%swap3A_85], %swap3A_88 {strides = array<i32>} : memref<512xf32, #tpu.memory_space<vmem>>, vector<16xf32>,
    %broadcast_in_dim3A_89 = arith.constant 0.000000e+00 : f32
    %broadcast_in_dim3A_90 = vector.broadcast %broadcast_in_dim3A_89 : f32 to vector<16xf32>
    %swap3A_91 = arith.constant 160 : index
    %swap3A_92 = tpu.vector_load %arg8[%swap3A_91] {strides = array<i32>} : memref<512xf32, #tpu.memory_space<vmem>>, vector<16xf32>,
    %swap3A_93 = vector.shape_cast %swap3A_92 : vector<16xf32> to vector<16xf32>
    %swap3A_94 = vector.shape_cast %broadcast_in_dim3A_90 : vector<16xf32> to vector<16xf32>
    tpu.vector_store %arg8[%swap3A_91], %swap3A_94 {strides = array<i32>} : memref<512xf32, #tpu.memory_space<vmem>>, vector<16xf32>,
    %broadcast_in_dim3A_95 = arith.constant 0.000000e+00 : f32
    %broadcast_in_dim3A_96 = vector.broadcast %broadcast_in_dim3A_95 : f32 to vector<16xf32>
    %swap3A_97 = arith.constant 176 : index
    %swap3A_98 = tpu.vector_load %arg8[%swap3A_97] {strides = array<i32>} : memref<512xf32, #tpu.memory_space<vmem>>, vector<16xf32>,
    %swap3A_99 = vector.shape_cast %swap3A_98 : vector<16xf32> to vector<16xf32>
    %swap3A_100 = vector.shape_cast %broadcast_in_dim3A_96 : vector<16xf32> to vector<16xf32>
    tpu.vector_store %arg8[%swap3A_97], %swap3A_100 {strides = array<i32>} : memref<512xf32, #tpu.memory_space<vmem>>, vector<16xf32>,
    %broadcast_in_dim3A_101 = arith.constant 0.000000e+00 : f32
    %broadcast_in_dim3A_102 = vector.broadcast %broadcast_in_dim3A_101 : f32 to vector<16xf32>
    %swap3A_103 = arith.constant 192 : index
    %swap3A_104 = tpu.vector_load %arg8[%swap3A_103] {strides = array<i32>} : memref<512xf32, #tpu.memory_space<vmem>>, vector<16xf32>,
    %swap3A_105 = vector.shape_cast %swap3A_104 : vector<16xf32> to vector<16xf32>
    %swap3A_106 = vector.shape_cast %broadcast_in_dim3A_102 : vector<16xf32> to vector<16xf32>
    tpu.vector_store %arg8[%swap3A_103], %swap3A_106 {strides = array<i32>} : memref<512xf32, #tpu.memory_space<vmem>>, vector<16xf32>,
    %broadcast_in_dim3A_107 = arith.constant 0.000000e+00 : f32
    %broadcast_in_dim3A_108 = vector.broadcast %broadcast_in_dim3A_107 : f32 to vector<16xf32>
    %swap3A_109 = arith.constant 208 : index
    %swap3A_110 = tpu.vector_load %arg8[%swap3A_109] {strides = array<i32>} : memref<512xf32, #tpu.memory_space<vmem>>, vector<16xf32>,
    %swap3A_111 = vector.shape_cast %swap3A_110 : vector<16xf32> to vector<16xf32>
    %swap3A_112 = vector.shape_cast %broadcast_in_dim3A_108 : vector<16xf32> to vector<16xf32>
    tpu.vector_store %arg8[%swap3A_109], %swap3A_112 {strides = array<i32>} : memref<512xf32, #tpu.memory_space<vmem>>, vector<16xf32>,
    %broadcast_in_dim3A_113 = arith.constant 0.000000e+00 : f32
    %broadcast_in_dim3A_114 = vector.broadcast %broadcast_in_dim3A_113 : f32 to vector<16xf32>
    %swap3A_115 = arith.constant 224 : index
    %swap3A_116 = tpu.vector_load %arg8[%swap3A_115] {strides = array<i32>} : memref<512xf32, #tpu.memory_space<vmem>>, vector<16xf32>,
    %swap3A_117 = vector.shape_cast %swap3A_116 : vector<16xf32> to vector<16xf32>
    %swap3A_118 = vector.shape_cast %broadcast_in_dim3A_114 : vector<16xf32> to vector<16xf32>
    tpu.vector_store %arg8[%swap3A_115], %swap3A_118 {strides = array<i32>} : memref<512xf32, #tpu.memory_space<vmem>>, vector<16xf32>,
    %broadcast_in_dim3A_119 = arith.constant 0.000000e+00 : f32
    %broadcast_in_dim3A_120 = vector.broadcast %broadcast_in_dim3A_119 : f32 to vector<16xf32>
    %swap3A_121 = arith.constant 240 : index
    %swap3A_122 = tpu.vector_load %arg8[%swap3A_121] {strides = array<i32>} : memref<512xf32, #tpu.memory_space<vmem>>, vector<16xf32>,
    %swap3A_123 = vector.shape_cast %swap3A_122 : vector<16xf32> to vector<16xf32>
    %swap3A_124 = vector.shape_cast %broadcast_in_dim3A_120 : vector<16xf32> to vector<16xf32>
    tpu.vector_store %arg8[%swap3A_121], %swap3A_124 {strides = array<i32>} : memref<512xf32, #tpu.memory_space<vmem>>, vector<16xf32>,
    %broadcast_in_dim3A_125 = arith.constant 0.000000e+00 : f32
    %broadcast_in_dim3A_126 = vector.broadcast %broadcast_in_dim3A_125 : f32 to vector<16xf32>
    %swap3A_127 = arith.constant 256 : index
    %swap3A_128 = tpu.vector_load %arg8[%swap3A_127] {strides = array<i32>} : memref<512xf32, #tpu.memory_space<vmem>>, vector<16xf32>,
    %swap3A_129 = vector.shape_cast %swap3A_128 : vector<16xf32> to vector<16xf32>
    %swap3A_130 = vector.shape_cast %broadcast_in_dim3A_126 : vector<16xf32> to vector<16xf32>
    tpu.vector_store %arg8[%swap3A_127], %swap3A_130 {strides = array<i32>} : memref<512xf32, #tpu.memory_space<vmem>>, vector<16xf32>,
    %broadcast_in_dim3A_131 = arith.constant 0.000000e+00 : f32
    %broadcast_in_dim3A_132 = vector.broadcast %broadcast_in_dim3A_131 : f32 to vector<16xf32>
    %swap3A_133 = arith.constant 272 : index
    %swap3A_134 = tpu.vector_load %arg8[%swap3A_133] {strides = array<i32>} : memref<512xf32, #tpu.memory_space<vmem>>, vector<16xf32>,
    %swap3A_135 = vector.shape_cast %swap3A_134 : vector<16xf32> to vector<16xf32>
    %swap3A_136 = vector.shape_cast %broadcast_in_dim3A_132 : vector<16xf32> to vector<16xf32>
    tpu.vector_store %arg8[%swap3A_133], %swap3A_136 {strides = array<i32>} : memref<512xf32, #tpu.memory_space<vmem>>, vector<16xf32>,
    %broadcast_in_dim3A_137 = arith.constant 0.000000e+00 : f32
    %broadcast_in_dim3A_138 = vector.broadcast %broadcast_in_dim3A_137 : f32 to vector<16xf32>
    %swap3A_139 = arith.constant 288 : index
    %swap3A_140 = tpu.vector_load %arg8[%swap3A_139] {strides = array<i32>} : memref<512xf32, #tpu.memory_space<vmem>>, vector<16xf32>,
    %swap3A_141 = vector.shape_cast %swap3A_140 : vector<16xf32> to vector<16xf32>
    %swap3A_142 = vector.shape_cast %broadcast_in_dim3A_138 : vector<16xf32> to vector<16xf32>
    tpu.vector_store %arg8[%swap3A_139], %swap3A_142 {strides = array<i32>} : memref<512xf32, #tpu.memory_space<vmem>>, vector<16xf32>,
    %broadcast_in_dim3A_143 = arith.constant 0.000000e+00 : f32
    %broadcast_in_dim3A_144 = vector.broadcast %broadcast_in_dim3A_143 : f32 to vector<16xf32>
    %swap3A_145 = arith.constant 304 : index
    %swap3A_146 = tpu.vector_load %arg8[%swap3A_145] {strides = array<i32>} : memref<512xf32, #tpu.memory_space<vmem>>, vector<16xf32>,
    %swap3A_147 = vector.shape_cast %swap3A_146 : vector<16xf32> to vector<16xf32>
    %swap3A_148 = vector.shape_cast %broadcast_in_dim3A_144 : vector<16xf32> to vector<16xf32>
    tpu.vector_store %arg8[%swap3A_145], %swap3A_148 {strides = array<i32>} : memref<512xf32, #tpu.memory_space<vmem>>, vector<16xf32>,
    %broadcast_in_dim3A_149 = arith.constant 0.000000e+00 : f32
    %broadcast_in_dim3A_150 = vector.broadcast %broadcast_in_dim3A_149 : f32 to vector<16xf32>
    %swap3A_151 = arith.constant 320 : index
    %swap3A_152 = tpu.vector_load %arg8[%swap3A_151] {strides = array<i32>} : memref<512xf32, #tpu.memory_space<vmem>>, vector<16xf32>,
    %swap3A_153 = vector.shape_cast %swap3A_152 : vector<16xf32> to vector<16xf32>
    %swap3A_154 = vector.shape_cast %broadcast_in_dim3A_150 : vector<16xf32> to vector<16xf32>
    tpu.vector_store %arg8[%swap3A_151], %swap3A_154 {strides = array<i32>} : memref<512xf32, #tpu.memory_space<vmem>>, vector<16xf32>,
    %broadcast_in_dim3A_155 = arith.constant 0.000000e+00 : f32
    %broadcast_in_dim3A_156 = vector.broadcast %broadcast_in_dim3A_155 : f32 to vector<16xf32>
    %swap3A_157 = arith.constant 336 : index
    %swap3A_158 = tpu.vector_load %arg8[%swap3A_157] {strides = array<i32>} : memref<512xf32, #tpu.memory_space<vmem>>, vector<16xf32>,
    %swap3A_159 = vector.shape_cast %swap3A_158 : vector<16xf32> to vector<16xf32>
    %swap3A_160 = vector.shape_cast %broadcast_in_dim3A_156 : vector<16xf32> to vector<16xf32>
    tpu.vector_store %arg8[%swap3A_157], %swap3A_160 {strides = array<i32>} : memref<512xf32, #tpu.memory_space<vmem>>, vector<16xf32>,
    %broadcast_in_dim3A_161 = arith.constant 0.000000e+00 : f32
    %broadcast_in_dim3A_162 = vector.broadcast %broadcast_in_dim3A_161 : f32 to vector<16xf32>
    %swap3A_163 = arith.constant 352 : index
    %swap3A_164 = tpu.vector_load %arg8[%swap3A_163] {strides = array<i32>} : memref<512xf32, #tpu.memory_space<vmem>>, vector<16xf32>,
    %swap3A_165 = vector.shape_cast %swap3A_164 : vector<16xf32> to vector<16xf32>
    %swap3A_166 = vector.shape_cast %broadcast_in_dim3A_162 : vector<16xf32> to vector<16xf32>
    tpu.vector_store %arg8[%swap3A_163], %swap3A_166 {strides = array<i32>} : memref<512xf32, #tpu.memory_space<vmem>>, vector<16xf32>,
    %broadcast_in_dim3A_167 = arith.constant 0.000000e+00 : f32
    %broadcast_in_dim3A_168 = vector.broadcast %broadcast_in_dim3A_167 : f32 to vector<16xf32>
    %swap3A_169 = arith.constant 368 : index
    %swap3A_170 = tpu.vector_load %arg8[%swap3A_169] {strides = array<i32>} : memref<512xf32, #tpu.memory_space<vmem>>, vector<16xf32>,
    %swap3A_171 = vector.shape_cast %swap3A_170 : vector<16xf32> to vector<16xf32>
    %swap3A_172 = vector.shape_cast %broadcast_in_dim3A_168 : vector<16xf32> to vector<16xf32>
    tpu.vector_store %arg8[%swap3A_169], %swap3A_172 {strides = array<i32>} : memref<512xf32, #tpu.memory_space<vmem>>, vector<16xf32>,
    %broadcast_in_dim3A_173 = arith.constant 0.000000e+00 : f32
    %broadcast_in_dim3A_174 = vector.broadcast %broadcast_in_dim3A_173 : f32 to vector<16xf32>
    %swap3A_175 = arith.constant 384 : index
    %swap3A_176 = tpu.vector_load %arg8[%swap3A_175] {strides = array<i32>} : memref<512xf32, #tpu.memory_space<vmem>>, vector<16xf32>,
    %swap3A_177 = vector.shape_cast %swap3A_176 : vector<16xf32> to vector<16xf32>
    %swap3A_178 = vector.shape_cast %broadcast_in_dim3A_174 : vector<16xf32> to vector<16xf32>
    tpu.vector_store %arg8[%swap3A_175], %swap3A_178 {strides = array<i32>} : memref<512xf32, #tpu.memory_space<vmem>>, vector<16xf32>,
    %broadcast_in_dim3A_179 = arith.constant 0.000000e+00 : f32
    %broadcast_in_dim3A_180 = vector.broadcast %broadcast_in_dim3A_179 : f32 to vector<16xf32>
    %swap3A_181 = arith.constant 400 : index
    %swap3A_182 = tpu.vector_load %arg8[%swap3A_181] {strides = array<i32>} : memref<512xf32, #tpu.memory_space<vmem>>, vector<16xf32>,
    %swap3A_183 = vector.shape_cast %swap3A_182 : vector<16xf32> to vector<16xf32>
    %swap3A_184 = vector.shape_cast %broadcast_in_dim3A_180 : vector<16xf32> to vector<16xf32>
    tpu.vector_store %arg8[%swap3A_181], %swap3A_184 {strides = array<i32>} : memref<512xf32, #tpu.memory_space<vmem>>, vector<16xf32>,
    %broadcast_in_dim3A_185 = arith.constant 0.000000e+00 : f32
    %broadcast_in_dim3A_186 = vector.broadcast %broadcast_in_dim3A_185 : f32 to vector<16xf32>
    %swap3A_187 = arith.constant 416 : index
    %swap3A_188 = tpu.vector_load %arg8[%swap3A_187] {strides = array<i32>} : memref<512xf32, #tpu.memory_space<vmem>>, vector<16xf32>,
    %swap3A_189 = vector.shape_cast %swap3A_188 : vector<16xf32> to vector<16xf32>
    %swap3A_190 = vector.shape_cast %broadcast_in_dim3A_186 : vector<16xf32> to vector<16xf32>
    tpu.vector_store %arg8[%swap3A_187], %swap3A_190 {strides = array<i32>} : memref<512xf32, #tpu.memory_space<vmem>>, vector<16xf32>,
    %broadcast_in_dim3A_191 = arith.constant 0.000000e+00 : f32
    %broadcast_in_dim3A_192 = vector.broadcast %broadcast_in_dim3A_191 : f32 to vector<16xf32>
    %swap3A_193 = arith.constant 432 : index
    %swap3A_194 = tpu.vector_load %arg8[%swap3A_193] {strides = array<i32>} : memref<512xf32, #tpu.memory_space<vmem>>, vector<16xf32>,
    %swap3A_195 = vector.shape_cast %swap3A_194 : vector<16xf32> to vector<16xf32>
    %swap3A_196 = vector.shape_cast %broadcast_in_dim3A_192 : vector<16xf32> to vector<16xf32>
    tpu.vector_store %arg8[%swap3A_193], %swap3A_196 {strides = array<i32>} : memref<512xf32, #tpu.memory_space<vmem>>, vector<16xf32>,
    %broadcast_in_dim3A_197 = arith.constant 0.000000e+00 : f32
    %broadcast_in_dim3A_198 = vector.broadcast %broadcast_in_dim3A_197 : f32 to vector<16xf32>
    %swap3A_199 = arith.constant 448 : index
    %swap3A_200 = tpu.vector_load %arg8[%swap3A_199] {strides = array<i32>} : memref<512xf32, #tpu.memory_space<vmem>>, vector<16xf32>,
    %swap3A_201 = vector.shape_cast %swap3A_200 : vector<16xf32> to vector<16xf32>
    %swap3A_202 = vector.shape_cast %broadcast_in_dim3A_198 : vector<16xf32> to vector<16xf32>
    tpu.vector_store %arg8[%swap3A_199], %swap3A_202 {strides = array<i32>} : memref<512xf32, #tpu.memory_space<vmem>>, vector<16xf32>,
    %broadcast_in_dim3A_203 = arith.constant 0.000000e+00 : f32
    %broadcast_in_dim3A_204 = vector.broadcast %broadcast_in_dim3A_203 : f32 to vector<16xf32>
    %swap3A_205 = arith.constant 464 : index
    %swap3A_206 = tpu.vector_load %arg8[%swap3A_205] {strides = array<i32>} : memref<512xf32, #tpu.memory_space<vmem>>, vector<16xf32>,
    %swap3A_207 = vector.shape_cast %swap3A_206 : vector<16xf32> to vector<16xf32>
    %swap3A_208 = vector.shape_cast %broadcast_in_dim3A_204 : vector<16xf32> to vector<16xf32>
    tpu.vector_store %arg8[%swap3A_205], %swap3A_208 {strides = array<i32>} : memref<512xf32, #tpu.memory_space<vmem>>, vector<16xf32>,
    %broadcast_in_dim3A_209 = arith.constant 0.000000e+00 : f32
    %broadcast_in_dim3A_210 = vector.broadcast %broadcast_in_dim3A_209 : f32 to vector<16xf32>
    %swap3A_211 = arith.constant 480 : index
    %swap3A_212 = tpu.vector_load %arg8[%swap3A_211] {strides = array<i32>} : memref<512xf32, #tpu.memory_space<vmem>>, vector<16xf32>,
    %swap3A_213 = vector.shape_cast %swap3A_212 : vector<16xf32> to vector<16xf32>
    %swap3A_214 = vector.shape_cast %broadcast_in_dim3A_210 : vector<16xf32> to vector<16xf32>
    tpu.vector_store %arg8[%swap3A_211], %swap3A_214 {strides = array<i32>} : memref<512xf32, #tpu.memory_space<vmem>>, vector<16xf32>,
    %broadcast_in_dim3A_215 = arith.constant 0.000000e+00 : f32
    %broadcast_in_dim3A_216 = vector.broadcast %broadcast_in_dim3A_215 : f32 to vector<16xf32>
    %swap3A_217 = arith.constant 496 : index
    %swap3A_218 = tpu.vector_load %arg8[%swap3A_217] {strides = array<i32>} : memref<512xf32, #tpu.memory_space<vmem>>, vector<16xf32>,
    %swap3A_219 = vector.shape_cast %swap3A_218 : vector<16xf32> to vector<16xf32>
    %swap3A_220 = vector.shape_cast %broadcast_in_dim3A_216 : vector<16xf32> to vector<16xf32>
    tpu.vector_store %arg8[%swap3A_217], %swap3A_220 {strides = array<i32>} : memref<512xf32, #tpu.memory_space<vmem>>, vector<16xf32>,
    %broadcast_in_dim3A_221 = arith.constant 1.000000e+00 : f32
    %broadcast_in_dim3A_222 = vector.broadcast %broadcast_in_dim3A_221 : f32 to vector<16xf32>
    %swap3A_223 = arith.constant 0 : index
    %swap3A_224 = tpu.vector_load %arg9[%swap3A_223] {strides = array<i32>} : memref<128xf32, #tpu.memory_space<vmem>>, vector<16xf32>,
    %swap3A_225 = vector.shape_cast %swap3A_224 : vector<16xf32> to vector<16xf32>
    %swap3A_226 = vector.shape_cast %broadcast_in_dim3A_222 : vector<16xf32> to vector<16xf32>
    tpu.vector_store %arg9[%swap3A_223], %swap3A_226 {strides = array<i32>} : memref<128xf32, #tpu.memory_space<vmem>>, vector<16xf32>,
    %broadcast_in_dim3A_227 = arith.constant 1.000000e+00 : f32
    %broadcast_in_dim3A_228 = vector.broadcast %broadcast_in_dim3A_227 : f32 to vector<16xf32>
    %swap3A_229 = arith.constant 16 : index
    %swap3A_230 = tpu.vector_load %arg9[%swap3A_229] {strides = array<i32>} : memref<128xf32, #tpu.memory_space<vmem>>, vector<16xf32>,
    %swap3A_231 = vector.shape_cast %swap3A_230 : vector<16xf32> to vector<16xf32>
    %swap3A_232 = vector.shape_cast %broadcast_in_dim3A_228 : vector<16xf32> to vector<16xf32>
    tpu.vector_store %arg9[%swap3A_229], %swap3A_232 {strides = array<i32>} : memref<128xf32, #tpu.memory_space<vmem>>, vector<16xf32>,
    %broadcast_in_dim3A_233 = arith.constant 1.000000e+00 : f32
    %broadcast_in_dim3A_234 = vector.broadcast %broadcast_in_dim3A_233 : f32 to vector<16xf32>
    %swap3A_235 = arith.constant 32 : index
    %swap3A_236 = tpu.vector_load %arg9[%swap3A_235] {strides = array<i32>} : memref<128xf32, #tpu.memory_space<vmem>>, vector<16xf32>,
    %swap3A_237 = vector.shape_cast %swap3A_236 : vector<16xf32> to vector<16xf32>
    %swap3A_238 = vector.shape_cast %broadcast_in_dim3A_234 : vector<16xf32> to vector<16xf32>
    tpu.vector_store %arg9[%swap3A_235], %swap3A_238 {strides = array<i32>} : memref<128xf32, #tpu.memory_space<vmem>>, vector<16xf32>,
    %broadcast_in_dim3A_239 = arith.constant 1.000000e+00 : f32
    %broadcast_in_dim3A_240 = vector.broadcast %broadcast_in_dim3A_239 : f32 to vector<16xf32>
    %swap3A_241 = arith.constant 48 : index
    %swap3A_242 = tpu.vector_load %arg9[%swap3A_241] {strides = array<i32>} : memref<128xf32, #tpu.memory_space<vmem>>, vector<16xf32>,
    %swap3A_243 = vector.shape_cast %swap3A_242 : vector<16xf32> to vector<16xf32>
    %swap3A_244 = vector.shape_cast %broadcast_in_dim3A_240 : vector<16xf32> to vector<16xf32>
    tpu.vector_store %arg9[%swap3A_241], %swap3A_244 {strides = array<i32>} : memref<128xf32, #tpu.memory_space<vmem>>, vector<16xf32>,
    %broadcast_in_dim3A_245 = arith.constant 1.000000e+00 : f32
    %broadcast_in_dim3A_246 = vector.broadcast %broadcast_in_dim3A_245 : f32 to vector<16xf32>
    %swap3A_247 = arith.constant 64 : index
    %swap3A_248 = tpu.vector_load %arg9[%swap3A_247] {strides = array<i32>} : memref<128xf32, #tpu.memory_space<vmem>>, vector<16xf32>,
    %swap3A_249 = vector.shape_cast %swap3A_248 : vector<16xf32> to vector<16xf32>
    %swap3A_250 = vector.shape_cast %broadcast_in_dim3A_246 : vector<16xf32> to vector<16xf32>
    tpu.vector_store %arg9[%swap3A_247], %swap3A_250 {strides = array<i32>} : memref<128xf32, #tpu.memory_space<vmem>>, vector<16xf32>,
    %broadcast_in_dim3A_251 = arith.constant 1.000000e+00 : f32
    %broadcast_in_dim3A_252 = vector.broadcast %broadcast_in_dim3A_251 : f32 to vector<16xf32>
    %swap3A_253 = arith.constant 80 : index
    %swap3A_254 = tpu.vector_load %arg9[%swap3A_253] {strides = array<i32>} : memref<128xf32, #tpu.memory_space<vmem>>, vector<16xf32>,
    %swap3A_255 = vector.shape_cast %swap3A_254 : vector<16xf32> to vector<16xf32>
    %swap3A_256 = vector.shape_cast %broadcast_in_dim3A_252 : vector<16xf32> to vector<16xf32>
    tpu.vector_store %arg9[%swap3A_253], %swap3A_256 {strides = array<i32>} : memref<128xf32, #tpu.memory_space<vmem>>, vector<16xf32>,
    %broadcast_in_dim3A_257 = arith.constant 1.000000e+00 : f32
    %broadcast_in_dim3A_258 = vector.broadcast %broadcast_in_dim3A_257 : f32 to vector<16xf32>
    %swap3A_259 = arith.constant 96 : index
    %swap3A_260 = tpu.vector_load %arg9[%swap3A_259] {strides = array<i32>} : memref<128xf32, #tpu.memory_space<vmem>>, vector<16xf32>,
    %swap3A_261 = vector.shape_cast %swap3A_260 : vector<16xf32> to vector<16xf32>
    %swap3A_262 = vector.shape_cast %broadcast_in_dim3A_258 : vector<16xf32> to vector<16xf32>
    tpu.vector_store %arg9[%swap3A_259], %swap3A_262 {strides = array<i32>} : memref<128xf32, #tpu.memory_space<vmem>>, vector<16xf32>,
    %broadcast_in_dim3A_263 = arith.constant 1.000000e+00 : f32
    %broadcast_in_dim3A_264 = vector.broadcast %broadcast_in_dim3A_263 : f32 to vector<16xf32>
    %swap3A_265 = arith.constant 112 : index
    %swap3A_266 = tpu.vector_load %arg9[%swap3A_265] {strides = array<i32>} : memref<128xf32, #tpu.memory_space<vmem>>, vector<16xf32>,
    %swap3A_267 = vector.shape_cast %swap3A_266 : vector<16xf32> to vector<16xf32>
    %swap3A_268 = vector.shape_cast %broadcast_in_dim3A_264 : vector<16xf32> to vector<16xf32>
    tpu.vector_store %arg9[%swap3A_265], %swap3A_268 {strides = array<i32>} : memref<128xf32, #tpu.memory_space<vmem>>, vector<16xf32>,
    %mul3A_269 = arith.constant 512 : i32
    %mul3A_270 = arith.muli %arg1, %mul3A_269 : i32
    "tpu.region"() ({
      %run_scoped3A_305 = tpu.sem_alloc : memref<!tpu.dma_semaphore, #tpu.memory_space<semaphore_mem>>
      %dma_start3A_306 = tpu.memref_slice %arg10[%mul3A_270] : memref<8192xf32, #tpu.memory_space<vmem_shared>> -> memref<512xf32, #tpu.memory_space<vmem_shared>>
      %dma_start3A_307 = tpu.memref_slice %arg10[%mul3A_270] : memref<8192xf32, #tpu.memory_space<vmem_shared>> -> memref<512xf32, #tpu.memory_space<vmem_shared>>
      tpu.enqueue_dma source(%arg8 : memref<512xf32, #tpu.memory_space<vmem>>) target(%dma_start3A_307 : memref<512xf32, #tpu.memory_space<vmem_shared>>) target_semaphore(%run_scoped3A_305 : memref<!tpu.dma_semaphore, #tpu.memory_space<semaphore_mem>>)
      %dma_wait3A_308 = tpu.memref_slice %arg10[%mul3A_270] : memref<8192xf32, #tpu.memory_space<vmem_shared>> -> memref<512xf32, #tpu.memory_space<vmem_shared>>
      %dma_wait3A_309 = tpu.memref_slice %arg10[%mul3A_270] : memref<8192xf32, #tpu.memory_space<vmem_shared>> -> memref<512xf32, #tpu.memory_space<vmem_shared>>
      tpu.wait_dma2 semaphore(%run_scoped3A_305 : memref<!tpu.dma_semaphore, #tpu.memory_space<semaphore_mem>>) src(%arg8 : memref<512xf32, #tpu.memory_space<vmem>>) dst(%dma_wait3A_309 : memref<512xf32, #tpu.memory_space<vmem_shared>>)
      tpu.yield
    }) : () -> ()
    %barrier3A = arith.constant 0 : index
    tpu.barrier barrier_id(%barrier3A)
    %run_scoped3A_271 = arith.constant 0 : i32
    "tpu.region"() ({
      %run_scoped3A_305 = tpu.sem_alloc : memref<!tpu.dma_semaphore, #tpu.memory_space<semaphore_mem>>
      %dma_start3A_306 = arith.constant 0 : i32
      %dma_start3A_307 = tpu.memref_slice %arg6[%run_scoped3A_271, %dma_start3A_306] : memref<2x128xi32, #tpu.memory_space<vmem>> -> memref<1x128xi32, #tpu.memory_space<vmem>>
      %dma_start3A_308 = tpu.memref_squeeze %dma_start3A_307 : memref<1x128xi32, #tpu.memory_space<vmem>> -> memref<128xi32, #tpu.memory_space<vmem>>
      %dma_start3A_309 = arith.constant 0 : i32
      %dma_start3A_310 = tpu.memref_slice %arg10[%dma_start3A_309] : memref<8192xf32, #tpu.memory_space<vmem_shared>> -> memref<8192xf32, #tpu.memory_space<vmem_shared>>
      tpu.enqueue_indirect_dma source(%arg9 : memref<128xf32, #tpu.memory_space<vmem>>) target(%dma_start3A_310 : memref<8192xf32, #tpu.memory_space<vmem_shared>>) offsets(%dma_start3A_308 : memref<128xi32, #tpu.memory_space<vmem>>) semaphore(%run_scoped3A_305 : memref<!tpu.dma_semaphore, #tpu.memory_space<semaphore_mem>>) {add = true}
      %dma_wait3A_311 = arith.constant 0 : i32
      %dma_wait3A_312 = tpu.memref_slice %arg6[%run_scoped3A_271, %dma_wait3A_311] : memref<2x128xi32, #tpu.memory_space<vmem>> -> memref<1x128xi32, #tpu.memory_space<vmem>>
      %dma_wait3A_313 = tpu.memref_squeeze %dma_wait3A_312 : memref<1x128xi32, #tpu.memory_space<vmem>> -> memref<128xi32, #tpu.memory_space<vmem>>
      %dma_wait3A_314 = arith.constant 0 : i32
      %dma_wait3A_315 = tpu.memref_slice %arg10[%dma_wait3A_314] : memref<8192xf32, #tpu.memory_space<vmem_shared>> -> memref<8192xf32, #tpu.memory_space<vmem_shared>>
      tpu.wait_indirect_dma semaphore(%run_scoped3A_305 : memref<!tpu.dma_semaphore, #tpu.memory_space<semaphore_mem>>) src(%arg9 : memref<128xf32, #tpu.memory_space<vmem>>) dst(%dma_wait3A_315 : memref<8192xf32, #tpu.memory_space<vmem_shared>>)
      tpu.yield
    }) : () -> ()
    %run_scoped3A_272 = arith.constant 1 : i32
    "tpu.region"() ({
      %run_scoped3A_305 = tpu.sem_alloc : memref<!tpu.dma_semaphore, #tpu.memory_space<semaphore_mem>>
      %dma_start3A_306 = arith.constant 0 : i32
      %dma_start3A_307 = tpu.memref_slice %arg6[%run_scoped3A_272, %dma_start3A_306] : memref<2x128xi32, #tpu.memory_space<vmem>> -> memref<1x128xi32, #tpu.memory_space<vmem>>
      %dma_start3A_308 = tpu.memref_squeeze %dma_start3A_307 : memref<1x128xi32, #tpu.memory_space<vmem>> -> memref<128xi32, #tpu.memory_space<vmem>>
      %dma_start3A_309 = arith.constant 0 : i32
      %dma_start3A_310 = tpu.memref_slice %arg10[%dma_start3A_309] : memref<8192xf32, #tpu.memory_space<vmem_shared>> -> memref<8192xf32, #tpu.memory_space<vmem_shared>>
      tpu.enqueue_indirect_dma source(%arg9 : memref<128xf32, #tpu.memory_space<vmem>>) target(%dma_start3A_310 : memref<8192xf32, #tpu.memory_space<vmem_shared>>) offsets(%dma_start3A_308 : memref<128xi32, #tpu.memory_space<vmem>>) semaphore(%run_scoped3A_305 : memref<!tpu.dma_semaphore, #tpu.memory_space<semaphore_mem>>) {add = true}
      %dma_wait3A_311 = arith.constant 0 : i32
      %dma_wait3A_312 = tpu.memref_slice %arg6[%run_scoped3A_272, %dma_wait3A_311] : memref<2x128xi32, #tpu.memory_space<vmem>> -> memref<1x128xi32, #tpu.memory_space<vmem>>
      %dma_wait3A_313 = tpu.memref_squeeze %dma_wait3A_312 : memref<1x128xi32, #tpu.memory_space<vmem>> -> memref<128xi32, #tpu.memory_space<vmem>>
      %dma_wait3A_314 = arith.constant 0 : i32
      %dma_wait3A_315 = tpu.memref_slice %arg10[%dma_wait3A_314] : memref<8192xf32, #tpu.memory_space<vmem_shared>> -> memref<8192xf32, #tpu.memory_space<vmem_shared>>
      tpu.wait_indirect_dma semaphore(%run_scoped3A_305 : memref<!tpu.dma_semaphore, #tpu.memory_space<semaphore_mem>>) src(%arg9 : memref<128xf32, #tpu.memory_space<vmem>>) dst(%dma_wait3A_315 : memref<8192xf32, #tpu.memory_space<vmem_shared>>)
      tpu.yield
    }) : () -> ()
    %dma_wait3A = arith.constant 0 : i32
    %dma_wait3A_273 = arith.constant 0 : i32
    %dma_wait3A_274 = arith.constant 0 : i32
    %dma_wait3A_275 = arith.constant 0 : i32
    %dma_wait3A_276 = tpu.memref_slice %arg7[%dma_wait3A_273, %dma_wait3A_274, %dma_wait3A_275] : memref<2x128x256xf32, #tpu.memory_space<vmem>> -> memref<1x128x256xf32, #tpu.memory_space<vmem>>
    %dma_wait3A_277 = tpu.memref_squeeze %dma_wait3A_276 : memref<1x128x256xf32, #tpu.memory_space<vmem>> -> memref<128x256xf32, #tpu.memory_space<vmem>>
    %dma_wait3A_278 = arith.constant 0 : i32
    %dma_wait3A_279 = tpu.memref_slice %arg6[%dma_wait3A, %dma_wait3A_278] : memref<2x128xi32, #tpu.memory_space<vmem>> -> memref<1x128xi32, #tpu.memory_space<vmem>>
    %dma_wait3A_280 = tpu.memref_squeeze %dma_wait3A_279 : memref<1x128xi32, #tpu.memory_space<vmem>> -> memref<128xi32, #tpu.memory_space<vmem>>
    %dma_wait3A_281 = arith.constant 0 : i32
    %dma_wait3A_282 = arith.constant 0 : i32
    %dma_wait3A_283 = tpu.memref_slice %arg3[%dma_wait3A_281, %dma_wait3A_282] : memref<8192x256xf32, #tpu.memory_space<hbm>> -> memref<8192x256xf32, #tpu.memory_space<hbm>>
    tpu.wait_indirect_dma semaphore(%arg11 : memref<!tpu.dma_semaphore, #tpu.memory_space<semaphore_mem>>) src(%dma_wait3A_283 : memref<8192x256xf32, #tpu.memory_space<hbm>>) dst(%dma_wait3A_277 : memref<128x256xf32, #tpu.memory_space<vmem>>)
    %dma_wait3A_284 = arith.constant 1 : i32
    %dma_wait3A_285 = arith.constant 1 : i32
    %dma_wait3A_286 = arith.constant 0 : i32
    %dma_wait3A_287 = arith.constant 0 : i32
    %dma_wait3A_288 = tpu.memref_slice %arg7[%dma_wait3A_285, %dma_wait3A_286, %dma_wait3A_287] : memref<2x128x256xf32, #tpu.memory_space<vmem>> -> memref<1x128x256xf32, #tpu.memory_space<vmem>>
    %dma_wait3A_289 = tpu.memref_squeeze %dma_wait3A_288 : memref<1x128x256xf32, #tpu.memory_space<vmem>> -> memref<128x256xf32, #tpu.memory_space<vmem>>
    %dma_wait3A_290 = arith.constant 0 : i32
    %dma_wait3A_291 = tpu.memref_slice %arg6[%dma_wait3A_284, %dma_wait3A_290] : memref<2x128xi32, #tpu.memory_space<vmem>> -> memref<1x128xi32, #tpu.memory_space<vmem>>
    %dma_wait3A_292 = tpu.memref_squeeze %dma_wait3A_291 : memref<1x128xi32, #tpu.memory_space<vmem>> -> memref<128xi32, #tpu.memory_space<vmem>>
    %dma_wait3A_293 = arith.constant 0 : i32
    %dma_wait3A_294 = arith.constant 0 : i32
    %dma_wait3A_295 = tpu.memref_slice %arg3[%dma_wait3A_293, %dma_wait3A_294] : memref<8192x256xf32, #tpu.memory_space<hbm>> -> memref<8192x256xf32, #tpu.memory_space<hbm>>
    tpu.wait_indirect_dma semaphore(%arg11 : memref<!tpu.dma_semaphore, #tpu.memory_space<semaphore_mem>>) src(%dma_wait3A_295 : memref<8192x256xf32, #tpu.memory_space<hbm>>) dst(%dma_wait3A_289 : memref<128x256xf32, #tpu.memory_space<vmem>>)
    %add3A_296 = arith.constant 0 : i32
    %add3A_297 = arith.addi %mul3A_2, %add3A_296 : i32
    %run_scoped3A_298 = arith.constant 0 : i32
    "tpu.region"() ({
      %run_scoped3A_305 = tpu.sem_alloc : memref<!tpu.dma_semaphore, #tpu.memory_space<semaphore_mem>>
      %dma_start3A_306 = arith.constant 0 : i32
      %dma_start3A_307 = arith.constant 0 : i32
      %dma_start3A_308 = tpu.memref_slice %arg7[%run_scoped3A_298, %dma_start3A_306, %dma_start3A_307] : memref<2x128x256xf32, #tpu.memory_space<vmem>> -> memref<1x128x256xf32, #tpu.memory_space<vmem>>
      %dma_start3A_309 = tpu.memref_squeeze %dma_start3A_308 : memref<1x128x256xf32, #tpu.memory_space<vmem>> -> memref<128x256xf32, #tpu.memory_space<vmem>>
      %dma_start3A_310 = arith.constant 0 : i32
      %dma_start3A_311 = tpu.memref_slice %arg4[%add3A_297, %dma_start3A_310] : memref<8192x256xf32, #tpu.memory_space<hbm>> -> memref<128x256xf32, #tpu.memory_space<hbm>>
      %dma_start3A_312 = arith.constant 0 : i32
      %dma_start3A_313 = tpu.memref_slice %arg4[%add3A_297, %dma_start3A_312] : memref<8192x256xf32, #tpu.memory_space<hbm>> -> memref<128x256xf32, #tpu.memory_space<hbm>>
      %dma_start3A_314 = arith.constant 0 : i32
      %dma_start3A_315 = arith.constant 0 : i32
      %dma_start3A_316 = tpu.memref_slice %arg7[%run_scoped3A_298, %dma_start3A_314, %dma_start3A_315] : memref<2x128x256xf32, #tpu.memory_space<vmem>> -> memref<1x128x256xf32, #tpu.memory_space<vmem>>
      %dma_start3A_317 = tpu.memref_squeeze %dma_start3A_316 : memref<1x128x256xf32, #tpu.memory_space<vmem>> -> memref<128x256xf32, #tpu.memory_space<vmem>>
      tpu.enqueue_dma source(%dma_start3A_317 : memref<128x256xf32, #tpu.memory_space<vmem>>) target(%dma_start3A_313 : memref<128x256xf32, #tpu.memory_space<hbm>>) target_semaphore(%run_scoped3A_305 : memref<!tpu.dma_semaphore, #tpu.memory_space<semaphore_mem>>)
      %dma_wait3A_318 = arith.constant 0 : i32
      %dma_wait3A_319 = arith.constant 0 : i32
      %dma_wait3A_320 = tpu.memref_slice %arg7[%run_scoped3A_298, %dma_wait3A_318, %dma_wait3A_319] : memref<2x128x256xf32, #tpu.memory_space<vmem>> -> memref<1x128x256xf32, #tpu.memory_space<vmem>>
      %dma_wait3A_321 = tpu.memref_squeeze %dma_wait3A_320 : memref<1x128x256xf32, #tpu.memory_space<vmem>> -> memref<128x256xf32, #tpu.memory_space<vmem>>
      %dma_wait3A_322 = arith.constant 0 : i32
      %dma_wait3A_323 = tpu.memref_slice %arg4[%add3A_297, %dma_wait3A_322] : memref<8192x256xf32, #tpu.memory_space<hbm>> -> memref<128x256xf32, #tpu.memory_space<hbm>>
      %dma_wait3A_324 = arith.constant 0 : i32
      %dma_wait3A_325 = tpu.memref_slice %arg4[%add3A_297, %dma_wait3A_324] : memref<8192x256xf32, #tpu.memory_space<hbm>> -> memref<128x256xf32, #tpu.memory_space<hbm>>
      %dma_wait3A_326 = arith.constant 0 : i32
      %dma_wait3A_327 = arith.constant 0 : i32
      %dma_wait3A_328 = tpu.memref_slice %arg7[%run_scoped3A_298, %dma_wait3A_326, %dma_wait3A_327] : memref<2x128x256xf32, #tpu.memory_space<vmem>> -> memref<1x128x256xf32, #tpu.memory_space<vmem>>
      %dma_wait3A_329 = tpu.memref_squeeze %dma_wait3A_328 : memref<1x128x256xf32, #tpu.memory_space<vmem>> -> memref<128x256xf32, #tpu.memory_space<vmem>>
      tpu.wait_dma2 semaphore(%run_scoped3A_305 : memref<!tpu.dma_semaphore, #tpu.memory_space<semaphore_mem>>) src(%dma_wait3A_329 : memref<128x256xf32, #tpu.memory_space<vmem>>) dst(%dma_wait3A_325 : memref<128x256xf32, #tpu.memory_space<hbm>>)
      tpu.yield
    }) : () -> ()
    %add3A_299 = arith.constant 128 : i32
    %add3A_300 = arith.addi %mul3A_2, %add3A_299 : i32
    %run_scoped3A_301 = arith.constant 1 : i32
    "tpu.region"() ({
      %run_scoped3A_305 = tpu.sem_alloc : memref<!tpu.dma_semaphore, #tpu.memory_space<semaphore_mem>>
      %dma_start3A_306 = arith.constant 0 : i32
      %dma_start3A_307 = arith.constant 0 : i32
      %dma_start3A_308 = tpu.memref_slice %arg7[%run_scoped3A_301, %dma_start3A_306, %dma_start3A_307] : memref<2x128x256xf32, #tpu.memory_space<vmem>> -> memref<1x128x256xf32, #tpu.memory_space<vmem>>
      %dma_start3A_309 = tpu.memref_squeeze %dma_start3A_308 : memref<1x128x256xf32, #tpu.memory_space<vmem>> -> memref<128x256xf32, #tpu.memory_space<vmem>>
      %dma_start3A_310 = arith.constant 0 : i32
      %dma_start3A_311 = tpu.memref_slice %arg4[%add3A_300, %dma_start3A_310] : memref<8192x256xf32, #tpu.memory_space<hbm>> -> memref<128x256xf32, #tpu.memory_space<hbm>>
      %dma_start3A_312 = arith.constant 0 : i32
      %dma_start3A_313 = tpu.memref_slice %arg4[%add3A_300, %dma_start3A_312] : memref<8192x256xf32, #tpu.memory_space<hbm>> -> memref<128x256xf32, #tpu.memory_space<hbm>>
      %dma_start3A_314 = arith.constant 0 : i32
      %dma_start3A_315 = arith.constant 0 : i32
      %dma_start3A_316 = tpu.memref_slice %arg7[%run_scoped3A_301, %dma_start3A_314, %dma_start3A_315] : memref<2x128x256xf32, #tpu.memory_space<vmem>> -> memref<1x128x256xf32, #tpu.memory_space<vmem>>
      %dma_start3A_317 = tpu.memref_squeeze %dma_start3A_316 : memref<1x128x256xf32, #tpu.memory_space<vmem>> -> memref<128x256xf32, #tpu.memory_space<vmem>>
      tpu.enqueue_dma source(%dma_start3A_317 : memref<128x256xf32, #tpu.memory_space<vmem>>) target(%dma_start3A_313 : memref<128x256xf32, #tpu.memory_space<hbm>>) target_semaphore(%run_scoped3A_305 : memref<!tpu.dma_semaphore, #tpu.memory_space<semaphore_mem>>)
      %dma_wait3A_318 = arith.constant 0 : i32
      %dma_wait3A_319 = arith.constant 0 : i32
      %dma_wait3A_320 = tpu.memref_slice %arg7[%run_scoped3A_301, %dma_wait3A_318, %dma_wait3A_319] : memref<2x128x256xf32, #tpu.memory_space<vmem>> -> memref<1x128x256xf32, #tpu.memory_space<vmem>>
      %dma_wait3A_321 = tpu.memref_squeeze %dma_wait3A_320 : memref<1x128x256xf32, #tpu.memory_space<vmem>> -> memref<128x256xf32, #tpu.memory_space<vmem>>
      %dma_wait3A_322 = arith.constant 0 : i32
      %dma_wait3A_323 = tpu.memref_slice %arg4[%add3A_300, %dma_wait3A_322] : memref<8192x256xf32, #tpu.memory_space<hbm>> -> memref<128x256xf32, #tpu.memory_space<hbm>>
      %dma_wait3A_324 = arith.constant 0 : i32
      %dma_wait3A_325 = tpu.memref_slice %arg4[%add3A_300, %dma_wait3A_324] : memref<8192x256xf32, #tpu.memory_space<hbm>> -> memref<128x256xf32, #tpu.memory_space<hbm>>
      %dma_wait3A_326 = arith.constant 0 : i32
      %dma_wait3A_327 = arith.constant 0 : i32
      %dma_wait3A_328 = tpu.memref_slice %arg7[%run_scoped3A_301, %dma_wait3A_326, %dma_wait3A_327] : memref<2x128x256xf32, #tpu.memory_space<vmem>> -> memref<1x128x256xf32, #tpu.memory_space<vmem>>
      %dma_wait3A_329 = tpu.memref_squeeze %dma_wait3A_328 : memref<1x128x256xf32, #tpu.memory_space<vmem>> -> memref<128x256xf32, #tpu.memory_space<vmem>>
      tpu.wait_dma2 semaphore(%run_scoped3A_305 : memref<!tpu.dma_semaphore, #tpu.memory_space<semaphore_mem>>) src(%dma_wait3A_329 : memref<128x256xf32, #tpu.memory_space<vmem>>) dst(%dma_wait3A_325 : memref<128x256xf32, #tpu.memory_space<hbm>>)
      tpu.yield
    }) : () -> ()
    %barrier3A_302 = arith.constant 0 : index
    tpu.barrier barrier_id(%barrier3A_302)
    %eq3A = arith.constant 0 : i32
    %eq3A_303 = arith.cmpi eq, %arg1, %eq3A : i32
    %convert_element_type3A = arith.extui %eq3A_303 : i1 to i32
    %cond3A = arith.constant 0 : i32
    %cond3A_304 = arith.cmpi ne, %convert_element_type3A, %cond3A : i32
    scf.if %cond3A_304 {
      "tpu.region"() ({
        %run_scoped3A_305 = tpu.sem_alloc : memref<!tpu.dma_semaphore, #tpu.memory_space<semaphore_mem>>
        %dma_start3A_306 = arith.constant 0 : i32
        %dma_start3A_307 = tpu.memref_slice %arg5[%arg0, %dma_start3A_306] : memref<2x8192xf32, #tpu.memory_space<hbm>> -> memref<1x8192xf32, #tpu.memory_space<hbm>>
        %dma_start3A_308 = tpu.memref_squeeze %dma_start3A_307 : memref<1x8192xf32, #tpu.memory_space<hbm>> -> memref<8192xf32, #tpu.memory_space<hbm>>
        tpu.enqueue_dma source(%arg10 : memref<8192xf32, #tpu.memory_space<vmem_shared>>) target(%dma_start3A_308 : memref<8192xf32, #tpu.memory_space<hbm>>) target_semaphore(%run_scoped3A_305 : memref<!tpu.dma_semaphore, #tpu.memory_space<semaphore_mem>>)
        %dma_wait3A_309 = arith.constant 0 : i32
        %dma_wait3A_310 = tpu.memref_slice %arg5[%arg0, %dma_wait3A_309] : memref<2x8192xf32, #tpu.memory_space<hbm>> -> memref<1x8192xf32, #tpu.memory_space<hbm>>
        %dma_wait3A_311 = tpu.memref_squeeze %dma_wait3A_310 : memref<1x8192xf32, #tpu.memory_space<hbm>> -> memref<8192xf32, #tpu.memory_space<hbm>>
        tpu.wait_dma2 semaphore(%run_scoped3A_305 : memref<!tpu.dma_semaphore, #tpu.memory_space<semaphore_mem>>) src(%arg10 : memref<8192xf32, #tpu.memory_space<vmem_shared>>) dst(%dma_wait3A_311 : memref<8192xf32, #tpu.memory_space<hbm>>)
        tpu.yield
      }) : () -> ()
    } else {
    }
    return
  }
}

module attributes {stable_mosaic.version = 14 : i64} {
  func.func @_argmin_body(%arg0: i32, %arg1: memref<256x256xf32, #tpu.memory_space<vmem>>, %arg2: memref<256x1xf32, #tpu.memory_space<vmem>>, %arg3: memref<1x8192xf32, #tpu.memory_space<vmem>>, %arg4: memref<8192x256xf32, #tpu.memory_space<vmem>>, %arg5: memref<1x1x256xi32, #tpu.memory_space<vmem>>, %arg6: memref<1x1x256xf32, #tpu.memory_space<vmem>>) attributes {dimension_semantics = [#tpu.dimension_semantics<arbitrary>], iteration_bounds = array<i64: 32>, scalar_prefetch = 0 : i64, scratch_operands = 0 : i64, tpu.core_type = #tpu.core_type<tc>, window_params = [{transform_indices = @transform_0, window_bounds = array<i64: 256, 256>}, {transform_indices = @transform_1, window_bounds = array<i64: 256, 1>}, {pipeline_mode = #tpu.pipeline_mode<synchronous>, transform_indices = @transform_2, window_bounds = array<i64: 1, 8192>}, {pipeline_mode = #tpu.pipeline_mode<synchronous>, transform_indices = @transform_3, window_bounds = array<i64: 8192, 256>}, {transform_indices = @transform_4, window_bounds = array<i64: 1, 1, 256>}, {transform_indices = @transform_5, window_bounds = array<i64: 1, 1, 256>}]} {
    %get3A = arith.constant 0 : index
    %get3A_0 = arith.constant 0 : index
    %get3A_1 = vector.load %arg1[%get3A, %get3A_0] : memref<256x256xf32, #tpu.memory_space<vmem>>, vector<256x256xf32>
    %convert_element_type3A = arith.truncf %get3A_1 : vector<256x256xf32> to vector<256x256xbf16>
    %get3A_2 = arith.constant 0 : index
    %get3A_3 = arith.constant 0 : index
    %get3A_4 = vector.load %arg2[%get3A_2, %get3A_3] : memref<256x1xf32, #tpu.memory_space<vmem>>, vector<256x1xf32>
    %iota3A = tpu.iota {dimensions = array<i32: 1>} : vector<256x1024xi32>
    %broadcast_in_dim3A = arith.constant 0x7F800000 : f32
    %broadcast_in_dim3A_5 = vector.broadcast %broadcast_in_dim3A : f32 to vector<256xf32>
    %broadcast_in_dim3A_6 = arith.constant 0 : i32
    %broadcast_in_dim3A_7 = vector.broadcast %broadcast_in_dim3A_6 : i32 to vector<256xi32>
    %scan3A = arith.constant 0 : i32
    %scan3A_8 = arith.constant 8 : i32
    %scan3A_9 = arith.addi %scan3A, %scan3A_8 : i32
    %scan3A_10 = arith.constant 1 : i32
    %scan3A_11:2 = scf.for %scan3A_24 = %scan3A to %scan3A_9 step %scan3A_10 iter_args(%scan3A_25 = %broadcast_in_dim3A_5, %scan3A_26 = %broadcast_in_dim3A_7) -> (vector<256xf32>, vector<256xi32>)  : i32 {
      %mul3A = arith.constant 1024 : i32
      %mul3A_27 = arith.muli %scan3A_24, %mul3A : i32
      %get3A_28 = arith.index_cast %mul3A_27 : i32 to index
      %get3A_29 = arith.constant 0 : index
      %get3A_30 = vector.load %arg4[%get3A_28, %get3A_29] : memref<8192x256xf32, #tpu.memory_space<vmem>>, vector<1024x256xf32>
      %convert_element_type3A_31 = arith.truncf %get3A_30 : vector<1024x256xf32> to vector<1024x256xbf16>
      %mul3A_32 = arith.constant 1024 : i32
      %mul3A_33 = arith.muli %scan3A_24, %mul3A_32 : i32
      %get3A_34 = arith.constant 0 : index
      %get3A_35 = arith.index_cast %mul3A_33 : i32 to index
      %get3A_36 = vector.load %arg3[%get3A_34, %get3A_35] : memref<1x8192xf32, #tpu.memory_space<vmem>>, vector<1x1024xf32>
      %dot_general3A = arith.constant dense<0.000000e+00> : vector<256x1024xf32>
      %dot_general3A_37 = tpu.matmul %convert_element_type3A, %convert_element_type3A_31, %dot_general3A {dimension_numbers = #tpu.dot_dimension_numbers<[1], [1], [0], [0], [0, 0, 1, 0], [], []>, transpose_lhs_hint = false} : vector<256x256xbf16>, vector<1024x256xbf16>, vector<256x1024xf32> -> vector<256x1024xf32>
      %mul3A_38 = arith.constant 2.000000e+00 : f32
      %mul3A_39 = vector.broadcast %mul3A_38 : f32 to vector<256x1024xf32>
      %mul3A_40 = arith.mulf %mul3A_39, %dot_general3A_37 : vector<256x1024xf32>
      %sub3A = vector.broadcast %get3A_36 : vector<1x1024xf32> to vector<256x1024xf32>
      %sub3A_41 = arith.subf %sub3A, %mul3A_40 : vector<256x1024xf32>
      %reduce_min3A = arith.constant dense<0x7F800000> : vector<256xf32>
      %reduce_min3A_42 = vector.multi_reduction <minimumf>, %sub3A_41, %reduce_min3A [1] : vector<256x1024xf32> to vector<256xf32>
      %broadcast_in_dim3A_43 = vector.shape_cast %reduce_min3A_42 : vector<256xf32> to vector<256x1xf32>
      %eq3A = vector.broadcast %broadcast_in_dim3A_43 : vector<256x1xf32> to vector<256x1024xf32>
      %eq3A_44 = arith.cmpf oeq, %sub3A_41, %eq3A : vector<256x1024xf32>
      %jit3A = arith.constant 8192 : i32
      %broadcast_in_dim3A_45 = vector.broadcast %jit3A : i32 to vector<256x1024xi32>
      %select_n3A = arith.select %eq3A_44, %iota3A, %broadcast_in_dim3A_45 : vector<256x1024xi1>, vector<256x1024xi32>
      %reduce_min3A_46 = arith.constant dense<2147483647> : vector<256xi32>
      %reduce_min3A_47 = vector.multi_reduction <minsi>, %select_n3A, %reduce_min3A_46 [1] : vector<256x1024xi32> to vector<256xi32>
      %mul3A_48 = arith.constant 1024 : i32
      %mul3A_49 = arith.muli %scan3A_24, %mul3A_48 : i32
      %add3A_50 = vector.broadcast %mul3A_49 : i32 to vector<256xi32>
      %add3A_51 = arith.addi %reduce_min3A_47, %add3A_50 : vector<256xi32>
      %lt3A = arith.cmpf olt, %reduce_min3A_42, %scan3A_25 : vector<256xf32>
      %select_n3A_52 = arith.select %lt3A, %reduce_min3A_42, %scan3A_25 : vector<256xi1>, vector<256xf32>
      %select_n3A_53 = arith.select %lt3A, %add3A_51, %scan3A_26 : vector<256xi1>, vector<256xi32>
      scf.yield %select_n3A_52, %select_n3A_53 : vector<256xf32>, vector<256xi32>
    }
    %scan3A_12 = arith.constant 8 : i32
    %swap3A = arith.constant 0 : index
    %swap3A_13 = arith.constant 0 : index
    %swap3A_14 = arith.constant 0 : index
    %swap3A_15 = vector.load %arg5[%swap3A, %swap3A_13, %swap3A_14] : memref<1x1x256xi32, #tpu.memory_space<vmem>>, vector<1x1x256xi32>
    %swap3A_16 = vector.shape_cast %swap3A_15 : vector<1x1x256xi32> to vector<256xi32>
    %swap3A_17 = vector.shape_cast %scan3A_11#1 : vector<256xi32> to vector<1x1x256xi32>
    tpu.vector_store %arg5[%swap3A, %swap3A_13, %swap3A_14], %swap3A_17 {strides = array<i32>} : memref<1x1x256xi32, #tpu.memory_space<vmem>>, vector<1x1x256xi32>,
    %squeeze3A = vector.shape_cast %get3A_4 : vector<256x1xf32> to vector<256xf32>
    %add3A = arith.addf %scan3A_11#0, %squeeze3A : vector<256xf32>
    %swap3A_18 = arith.constant 0 : index
    %swap3A_19 = arith.constant 0 : index
    %swap3A_20 = arith.constant 0 : index
    %swap3A_21 = vector.load %arg6[%swap3A_18, %swap3A_19, %swap3A_20] : memref<1x1x256xf32, #tpu.memory_space<vmem>>, vector<1x1x256xf32>
    %swap3A_22 = vector.shape_cast %swap3A_21 : vector<1x1x256xf32> to vector<256xf32>
    %swap3A_23 = vector.shape_cast %add3A : vector<256xf32> to vector<1x1x256xf32>
    tpu.vector_store %arg6[%swap3A_18, %swap3A_19, %swap3A_20], %swap3A_23 {strides = array<i32>} : memref<1x1x256xf32, #tpu.memory_space<vmem>>, vector<1x1x256xf32>,
    return
  }
  func.func @transform_0(%arg0: i32) -> (i32, i32) {
    %c0_i32 = arith.constant 0 : i32
    %c0_i32_0 = arith.constant 0 : i32
    return %arg0, %c0_i32 : i32, i32
  }
  func.func @transform_1(%arg0: i32) -> (i32, i32) {
    %c0_i32 = arith.constant 0 : i32
    %c0_i32_0 = arith.constant 0 : i32
    return %arg0, %c0_i32 : i32, i32
  }
  func.func @transform_2(%arg0: i32) -> (i32, i32) {
    %c0_i32 = arith.constant 0 : i32
    %c0_i32_0 = arith.constant 0 : i32
    %c0_i32_1 = arith.constant 0 : i32
    return %c0_i32, %c0_i32_0 : i32, i32
  }
  func.func @transform_3(%arg0: i32) -> (i32, i32) {
    %c0_i32 = arith.constant 0 : i32
    %c0_i32_0 = arith.constant 0 : i32
    %c0_i32_1 = arith.constant 0 : i32
    return %c0_i32, %c0_i32_0 : i32, i32
  }
  func.func @transform_4(%arg0: i32) -> (i32, i32, i32) {
    %c0_i32 = arith.constant 0 : i32
    %c0_i32_0 = arith.constant 0 : i32
    %c0_i32_1 = arith.constant 0 : i32
    return %arg0, %c0_i32, %c0_i32_0 : i32, i32, i32
  }
  func.func @transform_5(%arg0: i32) -> (i32, i32, i32) {
    %c0_i32 = arith.constant 0 : i32
    %c0_i32_0 = arith.constant 0 : i32
    %c0_i32_1 = arith.constant 0 : i32
    return %arg0, %c0_i32, %c0_i32_0 : i32, i32, i32
  }
}

module attributes {stable_mosaic.version = 14 : i64} {
  func.func @_final_body(%arg0: memref<2x8192xf32, #tpu.memory_space<vmem>>, %arg1: memref<32x1x256xf32, #tpu.memory_space<vmem>>, %arg2: memref<1x1xf32, #tpu.memory_space<vmem>>, %arg3: memref<1x1xf32, #tpu.memory_space<vmem>>) attributes {dimension_semantics = [], scalar_prefetch = 0 : i64, scratch_operands = 0 : i64, tpu.core_type = #tpu.core_type<tc>} {
    %get3A = arith.constant 0 : index
    %get3A_0 = arith.constant 0 : index
    %get3A_1 = vector.load %arg0[%get3A, %get3A_0] : memref<2x8192xf32, #tpu.memory_space<vmem>>, vector<1x8192xf32>
    %get3A_2 = vector.shape_cast %get3A_1 : vector<1x8192xf32> to vector<8192xf32>
    %get3A_3 = arith.constant 1 : index
    %get3A_4 = arith.constant 0 : index
    %get3A_5 = vector.load %arg0[%get3A_3, %get3A_4] : memref<2x8192xf32, #tpu.memory_space<vmem>>, vector<1x8192xf32>
    %get3A_6 = vector.shape_cast %get3A_5 : vector<1x8192xf32> to vector<8192xf32>
    %add3A = arith.addf %get3A_2, %get3A_6 : vector<8192xf32>
    %mul3A = arith.constant 1.22070313E-4 : f32
    %mul3A_7 = vector.broadcast %mul3A : f32 to vector<8192xf32>
    %mul3A_8 = arith.mulf %add3A, %mul3A_7 : vector<8192xf32>
    %add3A_9 = arith.constant 1.000000e-10 : f32
    %add3A_10 = vector.broadcast %add3A_9 : f32 to vector<8192xf32>
    %add3A_11 = arith.addf %mul3A_8, %add3A_10 : vector<8192xf32>
    %log3A = math.log %add3A_11 : vector<8192xf32>
    %mul3A_12 = arith.mulf %mul3A_8, %log3A : vector<8192xf32>
    %reduce_sum3A = vector.shape_cast %mul3A_12 : vector<8192xf32> to vector<1x8192xf32>
    %reduce_sum3A_13 = arith.constant dense<0.000000e+00> : vector<1xf32>
    %reduce_sum3A_14 = vector.multi_reduction <add>, %reduce_sum3A, %reduce_sum3A_13 [1] : vector<1x8192xf32> to vector<1xf32>
    %reduce_sum3A_15 = vector.shape_cast %reduce_sum3A_14 : vector<1xf32> to vector<1x1xf32>
    %reduce_sum3A_16 = vector.extract %reduce_sum3A_15[0, 0] : f32 from vector<1x1xf32>
    %neg3A = arith.constant 0.000000e+00 : f32
    %neg3A_17 = arith.subf %neg3A, %reduce_sum3A_16 : f32
    %exp3A = math.exp %neg3A_17 : f32
    %reshape3A = vector.broadcast %exp3A : f32 to vector<1x1xf32>
    %swap3A = arith.constant 0 : index
    %swap3A_18 = arith.constant 0 : index
    %swap3A_19 = vector.load %arg3[%swap3A, %swap3A_18] : memref<1x1xf32, #tpu.memory_space<vmem>>, vector<1x1xf32>
    tpu.vector_store %arg3[%swap3A, %swap3A_18], %reshape3A {strides = array<i32>} : memref<1x1xf32, #tpu.memory_space<vmem>>, vector<1x1xf32>,
    %get3A_20 = arith.constant 0 : index
    %get3A_21 = arith.constant 0 : index
    %get3A_22 = arith.constant 0 : index
    %get3A_23 = vector.load %arg1[%get3A_20, %get3A_21, %get3A_22] : memref<32x1x256xf32, #tpu.memory_space<vmem>>, vector<32x1x256xf32>
    %reduce_sum3A_24 = vector.shape_cast %get3A_23 : vector<32x1x256xf32> to vector<1x32x1x256xf32>
    %reduce_sum3A_25 = arith.constant dense<0.000000e+00> : vector<1xf32>
    %reduce_sum3A_26 = vector.multi_reduction <add>, %reduce_sum3A_24, %reduce_sum3A_25 [1, 2, 3] : vector<1x32x1x256xf32> to vector<1xf32>
    %reduce_sum3A_27 = vector.shape_cast %reduce_sum3A_26 : vector<1xf32> to vector<1x1x1x1xf32>
    %reduce_sum3A_28 = vector.extract %reduce_sum3A_27[0, 0, 0, 0] : f32 from vector<1x1x1x1xf32>
    %div3A = arith.constant 0x4A000000 : f32
    %div3A_29 = arith.divf %reduce_sum3A_28, %div3A : f32
    %mul3A_30 = arith.constant 2.500000e-01 : f32
    %mul3A_31 = arith.mulf %mul3A_30, %div3A_29 : f32
    %add3A_32 = arith.addf %div3A_29, %mul3A_31 : f32
    %reshape3A_33 = vector.broadcast %add3A_32 : f32 to vector<1x1xf32>
    %swap3A_34 = arith.constant 0 : index
    %swap3A_35 = arith.constant 0 : index
    %swap3A_36 = vector.load %arg2[%swap3A_34, %swap3A_35] : memref<1x1xf32, #tpu.memory_space<vmem>>, vector<1x1xf32>
    tpu.vector_store %arg2[%swap3A_34, %swap3A_35], %reshape3A_33 {strides = array<i32>} : memref<1x1xf32, #tpu.memory_space<vmem>>, vector<1x1xf32>,
    return
  }
}

</mosaic_0001>

<sc_bundles>
// kernel: kernel.5.cloned.1.call-start
scs
__scs_entry_jumppad:
0x0: {  	(pc) =	sbr.rel $0x88, $3  }
0x1: {  	(tag) =	ssettag $0x0;
	lr =	simm.s32 $0x1  }
0x2: {  	[smem:$0x3F9F] =	sst lr;
	_ =	strace $0xD0000000  }
0x3: {  	_ = 	snop  }
0x4: {  	_ = 	snop  }
0x5: {  	_ = 	snop  }
0x6: {  	_ = 	snop  }
0x7: {  	_ = 	snop  }
__scs_overlays_trampoline_lowered:
0x8: {  	[smem:$0x3FAE] =	sst s0  }
0x9: {  	[smem:$0x3FAF] =	sst s1  }
0xa: {  	[smem:$0x3FB0] =	sst s2  }
0xb: {  	[smem:$0x3FB1] =	sst s3  }
0xc: {  	[smem:$0x3FB2] =	sst s4  }
0xd: {  	[smem:$0x3FB3] =	sst s5  }
0xe: {  	[smem:$0x3FB4] =	sst s6  }
0xf: {  	[smem:$0x3FB5] =	sst s7  }
0x10: {  	[smem:$0x3FB6] =	sst s8  }
0x11: {  	[smem:$0x3FB7] =	sst s9;
	s0 =	simm.s32 @!p0 $0x0  }
0x12: {  	s1 =	sld [smem:$0x3F9D];
	s0 =	simm.s32 @p0 $0x1  }
0x13: {  	[smem:$0x3FB8] =	sst s0;
	s0 =	simm.s32 @!p1 $0x0  }
0x14: {  	s2 =	sld [smem:$0x3F9C];
	s0 =	simm.s32 @p1 $0x1  }
0x15: {  	[smem:$0x3FB9] =	sst s0;
	s0 =	simm.s32 @!p2 $0x0  }
0x16: {  	s3 =	sld [smem:$0x3FDB];
	s0 =	simm.s32 @p2 $0x1  }
0x17: {  	s4 =	simm.s32 $0x1BF5;
	[smem:$0x3FBB] =	sst s0  }
0x18: {  	s0 =	sld [smem:$0x3F9E];
	_ =	swait.ge [sflag:s4], $0x0  }
0x19: {  	s7 =	sld [smem:$0x3F9F]  }
0x1a: {  	s8 =	sadd.s32 $0xFFFFE003, lr  }
0x1b: {  	s9 =	sadd.s32 $0xFFFFFEF7, lr;
	s5 =	simm.s32 $0xFFFFFFFF;
	p2 =	slt.u32 s8, $0xFFFFF086  }
0x1c: {  	p1 =	slt.u32 s9, $0xF7A;
	s5 =	simm.s32 @!p2 $0x0  }
0x1d: {  	s5 =	simm.s32 @p1 $0x1;
	p0 =	seq.s32 s7, s2  }
0x1e: {  	s7 =	smul.u32 @!p0 $0xF7A, s2;
	p2 =	seq.s32 @!p0 s5, $0x0  }
0x1f: {  	s9 =	smul.u32 $0xF7A, s1;
	s8 =	simm.s32 @!p0 $0x1BF5;
	p2 =	por !p2, p0  }
0x20: {  	[sflag:s8] =	ssyncset.s32 @!p0 $0xFFFFF086;
	s6 =	sadd.s32 @!p0 s3, s7;
	s7 =	simm.s32 @!p0 $0x108  }
0x21: {  	s3 =	sadd.s32 s3, s9;
	s6 =	sadd.s32 @!p0 $0x88, s6;
	s7 =	simm.s32 @p2 $0x1082  }
0x22: {  	[simem:s7], [sflag:s8] =	dma.local @!p0 [hbm:s6], $0xF7A  }
0x23: {  	s9 =	sor.u32 $0xD0000000, s2;
	s6 =	simm.s32 $0x108;
	_ =	swait.ge @!p0 [sflag:s8], $0x0  }
0x24: {  	s3 =	sadd.s32 $0x88, s3;
	s6 =	simm.s32 @!p1 $0x1082;
	[sflag:s4] =	ssyncset.s32 $0xFFFFF086  }
0x25: {  	[simem:s6], [sflag:s4] =	dma.local [hbm:s3], $0xF7A  }
0x26: {  	[smem:$0x3F9F] =	sst s1;
	(tag) =	ssettag s2;
	_ =	strace s9  }
0x27: {  	s1 =	sld [smem:$0x3FAF]  }
0x28: {  	s2 =	sld [smem:$0x3FB0]  }
0x29: {  	s4 =	sld [smem:$0x3FB2]  }
0x2a: {  	p0 =	seq.s32 s5, $0x0;
	s5 =	sld [smem:$0x3FB3]  }
0x2b: {  	s6 =	sld [smem:$0x3FB4]  }
0x2c: {  	s7 =	sld [smem:$0x3FB5]  }
0x2d: {  	s3 =	simm.s32 $0x108;
	s8 =	sld [smem:$0x3FB6]  }
0x2e: {  	s3 =	simm.s32 @!p0 $0x1082;
	s9 =	sld [smem:$0x3FB7]  }
0x2f: {  	lr =	sadd.s32 s0, s3;
	s0 =	sld [smem:$0x3FAE]  }
0x30: {  	s3 =	sld [smem:$0x3FB1]  }
0x31: {  	[smem:$0x3FBA] =	sst s10  }
0x32: {  	s10 =	sld [smem:$0x3FB8];
	_ =	sdelay $0x3  }
0x33: {  	p0 =	seq.s32 s10, $0x1;
	s10 =	sld [smem:$0x3FBA];
	_ =	sdelay $0x3  }
0x34: {  	[smem:$0x3FBA] =	sst s10  }
0x35: {  	s10 =	sld [smem:$0x3FB9];
	_ =	sdelay $0x3  }
0x36: {  	p1 =	seq.s32 s10, $0x1;
	s10 =	sld [smem:$0x3FBA];
	_ =	sdelay $0x3  }
0x37: {  	[smem:$0x3FBA] =	sst s10  }
0x38: {  	s10 =	sld [smem:$0x3FBB]  }
0x39: {  	_ = 	snop;
	(pc) =	sbr.ind lr, $3  }
0x3a: {  	_ = 	snop  }
0x3b: {  	_ = 	snop  }
0x3c: {  	p2 =	seq.s32 s10, $0x1;
	s10 =	sld [smem:$0x3FBA]  }
0x3d: {  	_ =	shalt  }
0x3e: {  	_ =	shalt  }
0x3f: {  	_ =	shalt  }
0x40: {  	_ =	shalt  }
0x41: {  	_ =	shalt  }
0x42: {  	_ =	shalt  }
0x43: {  	_ =	shalt  }
0x44: {  	_ =	shalt  }
0x45: {  	_ =	shalt  }
0x46: {  	_ =	shalt  }
0x47: {  	_ =	shalt  }
0x48: {  	_ =	shalt  }
0x49: {  	_ =	shalt  }
0x4a: {  	_ =	shalt  }
0x4b: {  	_ =	shalt  }
0x4c: {  	_ =	shalt  }
0x4d: {  	_ =	shalt  }
0x4e: {  	_ =	shalt  }
0x4f: {  	_ =	shalt  }
0x50: {  	_ =	shalt  }
0x51: {  	_ =	shalt  }
0x52: {  	_ =	shalt  }
0x53: {  	_ =	shalt  }
0x54: {  	_ =	shalt  }
0x55: {  	_ =	shalt  }
0x56: {  	_ =	shalt  }
0x57: {  	_ =	shalt  }
0x58: {  	_ =	shalt  }
0x59: {  	_ =	shalt  }
0x5a: {  	_ =	shalt  }
0x5b: {  	_ =	shalt  }
0x5c: {  	_ =	shalt  }
0x5d: {  	_ =	shalt  }
0x5e: {  	_ =	shalt  }
0x5f: {  	_ =	shalt  }
0x60: {  	_ =	shalt  }
0x61: {  	_ =	shalt  }
0x62: {  	_ =	shalt  }
0x63: {  	_ =	shalt  }
0x64: {  	_ =	shalt  }
0x65: {  	_ =	shalt  }
0x66: {  	_ =	shalt  }
0x67: {  	_ =	shalt  }
0x68: {  	_ =	shalt  }
0x69: {  	_ =	shalt  }
0x6a: {  	_ =	shalt  }
0x6b: {  	_ =	shalt  }
0x6c: {  	_ =	shalt  }
0x6d: {  	_ =	shalt  }
0x6e: {  	_ =	shalt  }
0x6f: {  	_ =	shalt  }
0x70: {  	_ =	shalt  }
0x71: {  	_ =	shalt  }
0x72: {  	_ =	shalt  }
0x73: {  	_ =	shalt  }
0x74: {  	_ =	shalt  }
0x75: {  	_ =	shalt  }
0x76: {  	_ =	shalt  }
0x77: {  	_ =	shalt  }
0x78: {  	_ =	shalt  }
0x79: {  	_ =	shalt  }
0x7a: {  	_ =	shalt  }
0x7b: {  	_ =	shalt  }
0x7c: {  	_ =	shalt  }
0x7d: {  	_ =	shalt  }
0x7e: {  	_ =	shalt  }
0x7f: {  	_ =	shalt  }
0x80: {  	_ =	shalt  }
0x81: {  	_ =	shalt  }
0x82: {  	_ =	shalt  }
0x83: {  	_ =	shalt  }
0x84: {  	_ =	shalt  }
0x85: {  	_ =	shalt  }
0x86: {  	_ =	shalt  }
0x87: {  	_ =	shalt  }
.Lfunc_end0:
.L_simem_size_0:
called_computation_lowered:
.L_overlay_start_0:
0x88: {  	s2 =	sld [smem:$0x3FD9]  }
0x89: {  	s3 =	sld [smem:$0x3FFE];
	_ =	sdelay $0x1  }
0x8a: {  	s1 =	srdreg.scid  }
0x8b: {  	s0 =	sand.u32 $0x1, s1  }
0x8c: {  	s14 =	sshll.u32 s0, $0xA;
	s2 =	sadd.s32 s3, s2  }
0x8d: {  	s2 =	sadd.s32 s2, s14  }
0x8e: {  	[smem:$0x3FC6] =	sst s2  }
0x8f: {  	_ = 	snop  }
0x90: {  	s2 =	sld [smem:$0x3FD0];
	_ =	sdelay $0x2  }
0x91: {  	s4 =	simm.s32 $0xA;
	s5 =	simm.s32 $0x10;
	s15 =	sld [smem:$0x3FC8]  }
0x92: {  	[smem:s5], [sflag:s4] =	dma.local [hbm:s2], $0x1  }
0x93: {  	_ =	swait.eq [sflag:s4], $0x1  }
0x94: {  	[sflag:s4] =	ssyncset.done $0x0  }
0x95: {  	[sflag:s4] =	ssyncadd.s32 $0xFFFFFFFF  }
0x96: {  	s16 =	sld [smem:$0x10];
	(tm) =	ssettm $0x1  }
0x97: {  	s17 =	sld [smem:$0x3FFB];
	_ =	sdelay $0x3  }
0x98: {  	_ =	strace s17  }
0x99: {  	s4 =	sld [smem:$0x3FFC];
	_ =	sdelay $0x3  }
0x9a: {  	_ =	strace s4  }
0x9b: {  	s4 =	sld [smem:$0x3FFD];
	_ =	sdelay $0x3  }
0x9c: {  	_ =	strace s4  }
0x9d: {  	_ =	strace $0x8FFFFFFF  }
0x9e: {  	s18 =	sld [smem:$0x3FDB];
	_ =	sdelay $0x1  }
0x9f: {  	s19 =	simm.s32 $_scs_section_size  }
0xa0: {  	s6 =	simm.s32 $_size__tile_overlayer_lowered;
	s7 =	simm.s32 $_tile_overlayer_lowered  }
0xa1: {  	s22 =	simm.s32 $0x1BFF;
	s21 =	sshll.u32 s7, $0x1;
	s4 =	sadd.s32 s19, s18  }
0xa2: {  	s8 =	simm.s32 $0x0;
	s20 =	sshll.u32 s6, $0x1;
	s6 =	sadd.s32 s21, s4  }
0xa3: {  	[timem:s8], [sflag:s22] =	dma.local [hbm:s6], s20  }
0xa4: {  	_ =	swait.ge [sflag:s22], s20  }
0xa5: {  	s5 =	ssub.s32 $0x0, s20;
	[sflag:s22] =	ssyncset.done $0x0  }
0xa6: {  	[sflag:s22] =	ssyncadd.s32 s5;
	_ =	sdelay $0x1  }
0xa7: {  	s23 =	simm.s32 $0x1B8B  }
0xa8: {  	_ =	swait.ge [sflag:s23], $0x1  }
0xa9: {  	[sflag:s23] =	ssyncset.done $0x0  }
0xaa: {  	s25 =	simm.s32 $0x1B8E;
	s24 =	sld [smem:$0x3FFE];
	[sflag:s23] =	ssyncadd.s32 $0xFFFFFFFF  }
0xab: {  	s26 =	simm.s32 $execute0_lowered;
	[smem:$0x3FD2] =	sst s25  }
0xac: {  	s6 =	sshll.u32 s26, $0x1;
	_ =	strace $0x80000046;
	[dreg:$0x1] =	wrdreg $0xFFFFFFFF  }
0xad: {  	s28 =	simm.s32 $_size_execute0_lowered;
	s4 =	sadd.s32 s4, s6;
	[dreg:$0x0] =	wrdreg $0x0  }
0xae: {  	s6 =	sshll.u32 s28, $0x1;
	[dreg:$0x2] =	wrdreg s4  }
0xaf: {  	[dreg:$0x3] =	wrdreg s6  }
0xb0: {  	[dreg:$0x4] =	wrdreg $0xC0  }
0xb1: {  	_ =	task [dreg:s8], $0x5FFFF  }
0xb2: {  	[dreg:$0x1] =	wrdreg $0xFFFFFFFF  }
0xb3: {  	[dreg:$0x0] =	wrdreg $0x60  }
0xb4: {  	[dreg:$0x2] =	wrdreg s24  }
0xb5: {  	[dreg:$0x3] =	wrdreg s15  }
0xb6: {  	[dreg:$0x4] =	wrdreg s16  }
0xb7: {  	[dreg:$0x5] =	wrdreg $0x103800  }
0xb8: {  	[dreg:$0x6] =	wrdreg $0x9  }
0xb9: {  	_ =	task.clear_ibuf [dreg:s8], $0x7FFFF;
	_ =	strace $0x90000046  }
0xba: {  	s29 =	simm.s32 $0x9;
	_ =	strace $0x80000048  }
0xbb: {  	_ =	swait.ge [sflag:s29], $0x1  }
0xbc: {  	[sflag:s29] =	ssyncadd.s32 $0xFFFFFFFF  }
0xbd: {  	_ =	strace $0x90000048  }
0xbe: {  	_ =	sfence  }
0xbf: {  	s30 =	sld [smem:$0x0];
	_ =	sdelay $0x2  }
0xc0: {  	s31 =	sshll.u32 s1, $0xD;
	s1 =	sshrl.u32 s1, $0x2  }
0xc1: {  	s3 =	sand.u32 $0x4000, s31;
	s1 =	sadd.s32 s1, s30  }
0xc2: {  	s0 =	sor.u32 s3, s0;
	s1 =	sshll.u32 s1, $0x11  }
0xc3: {  	s0 =	sor.u32 s1, s0  }
0xc4: {  	s0 =	sadd.s32 $0x8F2B, s0  }
0xc5: {  	[sflag:s0] =	ssyncadd.remote.s32 $0x1  }
0xc6: {  	_ =	sfence.sel $0xFFFF  }
0xc7: {  	[dreg:$0x0] =	wrdreg $0xFFFFFFFF;
	(pc) =	sbr.abs _section_cstart, $3  }
0xc8: {  	[dreg:$0x1] =	wrdreg $0xFFFFFFFF  }
0xc9: {  	_ =	task.clear_ibuf [dreg:s8], $0x2FFFF;
	_ =	strace $0x9FFFFFFF  }
0xca: {  	(tm) =	ssettm $0x7FFFFFFF  }
0xcb: {  	_ =	shalt  }
tec
execute0_lowered:
.L_overlay_start_1:
0x0: {  	(tag) =	ssettag $0x1  }
0x1: {  	s4 =	rddreg [dreg:$0x0]  }
0x2: {  	s1 =	rddreg [dreg:$0x1]  }
0x3: {  	s5 =	rddreg [dreg:$0x2]  }
0x4: {  	s2 =	rddreg [dreg:$0x3];
	s3 =	simm.s32 $0x0  }
0x5: {  	s14 =	simm.s32 $0x900;
	[smem:$0x7FF] =	sst s3  }
0x6: {  	s15 =	simm.s32 $0x1100;
	_ =	strace $0x80000047;
	[dreg:$0xb] =	wrdreg s14  }
0x7: {  	s16 =	simm.s32 $0x1900;
	[dreg:$0xc] =	wrdreg s15  }
0x8: {  	s17 =	simm.s32 $0x2100;
	[dreg:$0xd] =	wrdreg s16  }
0x9: {  	s6 =	srdreg.scid;
	s18 =	simm.s32 $0x2900;
	[dreg:$0xe] =	wrdreg s17  }
0xa: {  	s7 =	stileid.u32;
	s19 =	simm.s32 $0x3100;
	[dreg:$0xf] =	wrdreg s18  }
0xb: {  	s20 =	simm.s32 $0x3900;
	s22 =	simm.s32 $0x4100;
	[dreg:$0x10] =	wrdreg s19  }
0xc: {  	s23 =	simm.s32 $0x4900;
	s24 =	simm.s32 $0x5100;
	[dreg:$0x11] =	wrdreg s20  }
0xd: {  	s25 =	simm.s32 $0x5900;
	s26 =	simm.s32 $0x6100;
	[dreg:$0x12] =	wrdreg s22  }
0xe: {  	s28 =	simm.s32 $0x6900;
	s29 =	simm.s32 $0x7100;
	[dreg:$0x13] =	wrdreg s23  }
0xf: {  	s30 =	simm.s32 $0x7900;
	s6 =	sand.u32 $0x1, s6;
	[dreg:$0x14] =	wrdreg s24  }
0x10: {  	s9 =	sshll.u32 s7, $0x8;
	s31 =	sadd.s32 $0xA00, s4;
	[dreg:$0x15] =	wrdreg s25  }
0x11: {  	s0 =	sshll.u32 s7, $0x9;
	p0 =	sne.s32 s7, $0x0;
	[dreg:$0x16] =	wrdreg s26  }
0x12: {  	s7 =	simm.s32 $0x100;
	s8 =	sshll.u32 s6, $0xC;
	[dreg:$0x17] =	wrdreg s28  }
0x13: {  	s12 =	sshll.u32 s6, $0x4;
	s21 =	ssub.s32 $0x2, s6;
	[dreg:$0x18] =	wrdreg s29  }
0x14: {  	[dreg:$0x19] =	wrdreg s30;
	s14 =	simm.s32 $0xB900;
	s15 =	simm.s32 $0xC100  }
0x15: {  	s16 =	simm.s32 $0xC900;
	s17 =	simm.s32 $0xD100;
	s18 =	simm.s32 $0xD900  }
0x16: {  	s19 =	simm.s32 $0xE100;
	s20 =	simm.s32 $0xE900;
	s22 =	simm.s32 $0xF900  }
0x17: {  	s23 =	simm.s32 $0x10100;
	s24 =	simm.s32 $0x10300;
	s25 =	simm.s32 $0x1  }
0x18: {  	s8 =	sor.u32 s9, s8;
	s4 =	sadd.s32 s12, s4;
	s6 =	sshrl.u32 s21, $0x1  }
0x19: {  	s10 =	sshrl.u32 s8, $0x3;
	s11 =	sor.u32 $0x80, s8;
	s4 =	sadd.s32 $0xE00, s4  }
0x1a: {  	s8 =	sshll.u32 s8, $0x5;
	s10 =	sadd.s32 s31, s10;
	[dreg:$0xa] =	wrdreg s4  }
0x1b: {  	s13 =	sshrl.u32 s11, $0x3;
	s8 =	sadd.s32 s5, s8;
	[dreg:$0x5] =	wrdreg s10  }
0x1c: {  	s12 =	simm.s32 $0xA900;
	s9 =	sadd.s32 s31, s13;
	[dreg:$0x8] =	wrdreg s8  }
0x1d: {  	s10 =	sadd.s32 s0, s2;
	s13 =	sshll.u32 s11, $0x5;
	[dreg:$0x6] =	wrdreg s9  }
0x1e: {  	s8 =	simm.s32 $0x8100;
	s31 =	simm.s32 $0x8900;
	[dreg:$0x7] =	wrdreg s10  }
0x1f: {  	s11 =	simm.s32 $0xA100;
	s5 =	sadd.s32 s5, s13;
	[dreg:$0x1a] =	wrdreg s31  }
0x20: {  	v2 =	vlaneseq.u32;
	vm0 =	vmmov $0xffff;
	s9 =	simm.s32 $0x9100;
	s10 =	simm.s32 $0x9900;
	s13 =	simm.s32 $0xB100  }
0x21: {  	v3 =	vimm.f32 $0.0e+00;
	v4 =	vimm.f32 $1.000000000e+00;
	v1 =	vshrl.u32 v2, $0x3;
	[dreg:$0x9] =	wrdreg s5;
	s5 =	ssub.s32 s21, s6;
	s6 =	simm.s32 $0x80  }
0x22: {  	v0 =	vand.u32 $0x7, v2;
	v2 =	vor.u32 $0x8, v2;
	v1 =	vmul.u32 $0x8, v1;
	s21 =	simm.s32 $0xF100;
	s4 =	smax.u32 s5, $0x1;
	s5 =	simm.s32 $0x2  }
.LBB2_1:
0x23: {  	s26 =	rddreg [dreg:$0x5]  }
0x24: {  	[tilespmem:s3], [sflag:$0x2] =	stream.linear.gather [hbm4b:s26+s3], $0x80, $0x38;
	[tilespmem:$0x10580] =	vst v63  }
0x25: {  	_ =	swait.ge [sflag:s5], $0x80  }
0x26: {  	[sflag:s5] =	ssyncset.done $0x0  }
0x27: {  	s30 =	rddreg [dreg:$0x6];
	[sflag:s5] =	ssyncadd.s32 $0xFFFFFF80  }
0x28: {  	[tilespmem:s6], [sflag:$0x2] =	stream.linear.gather [hbm4b:s30+s3], $0x80, $0x38;
	[tilespmem:$0x10580] =	vst v63  }
0x29: {  	_ =	swait.ge [sflag:s5], $0x80  }
0x2a: {  	[sflag:s5] =	ssyncset.done $0x0  }
0x2b: {  	[sflag:s5] =	ssyncadd.s32 $0xFFFFFF80  }
0x2c: {  	v5 =	vld [tilespmem:$0x0];
	_ =	sdelay $0x4  }
0x2d: {  	v6 =	vshll.u32 v5, $0x1  }
0x2e: {  	v5 =	vand.u32 $0x7, v5;
	v6 =	vand.u32 $0xFFFFFFF0, v6  }
0x2f: {  	v5 =	vor.u32 v5, v6  }
0x30: {  	v6 =	vperm.xlane v5, v0;
	_ =	sdelay $0x1  }
0x31: {  	v5 =	vperm.xlane v5, v2;
	v6 =	vadd.s32 v1, v6;
	_ =	sdelay $0x1  }
0x32: {  	v5 =	vadd.s32 v1, v5;
	_ =	sdelay $0x2  }
0x33: {  	[tilespmem:s7], [sflag:$0x1] =	stream.indirect_vreg.gather [hbm4b:s1+s3], $0x80, v6, vm0, $0xb8;
	[tilespmem:$0x10580] =	vst v63  }
0x34: {  	s31 =	rddreg [dreg:$0xb]  }
0x35: {  	[tilespmem:s31], [sflag:$0x1] =	stream.indirect_vreg.gather [hbm4b:s1+s3], $0x80, v5, vm0, $0xb8;
	[tilespmem:$0x10580] =	vst v63  }
0x36: {  	v5 =	vld [tilespmem:$0x10];
	_ =	sdelay $0x4  }
0x37: {  	v6 =	vshll.u32 v5, $0x1  }
0x38: {  	v5 =	vand.u32 $0x7, v5;
	v6 =	vand.u32 $0xFFFFFFF0, v6  }
0x39: {  	v5 =	vor.u32 v5, v6  }
0x3a: {  	v6 =	vperm.xlane v5, v0;
	_ =	sdelay $0x1  }
0x3b: {  	v5 =	vperm.xlane v5, v2;
	v6 =	vadd.s32 v1, v6;
	_ =	sdelay $0x1  }
0x3c: {  	v5 =	vadd.s32 v1, v5;
	_ =	sdelay $0x1  }
0x3d: {  	s0 =	rddreg [dreg:$0xc]  }
0x3e: {  	[tilespmem:s0], [sflag:$0x1] =	stream.indirect_vreg.gather [hbm4b:s1+s3], $0x80, v6, vm0, $0xb8;
	[tilespmem:$0x10580] =	vst v63  }
0x3f: {  	s28 =	rddreg [dreg:$0xd]  }
0x40: {  	[tilespmem:s28], [sflag:$0x1] =	stream.indirect_vreg.gather [hbm4b:s1+s3], $0x80, v5, vm0, $0xb8;
	[tilespmem:$0x10580] =	vst v63  }
0x41: {  	v5 =	vld [tilespmem:$0x20];
	_ =	sdelay $0x4  }
0x42: {  	v6 =	vshll.u32 v5, $0x1  }
0x43: {  	v5 =	vand.u32 $0x7, v5;
	v6 =	vand.u32 $0xFFFFFFF0, v6  }
0x44: {  	v5 =	vor.u32 v5, v6  }
0x45: {  	v6 =	vperm.xlane v5, v0;
	_ =	sdelay $0x1  }
0x46: {  	v5 =	vperm.xlane v5, v2;
	v6 =	vadd.s32 v1, v6;
	_ =	sdelay $0x1  }
0x47: {  	v5 =	vadd.s32 v1, v5;
	_ =	sdelay $0x1  }
0x48: {  	s29 =	rddreg [dreg:$0xe]  }
0x49: {  	[tilespmem:s29], [sflag:$0x1] =	stream.indirect_vreg.gather [hbm4b:s1+s3], $0x80, v6, vm0, $0xb8;
	[tilespmem:$0x10580] =	vst v63  }
0x4a: {  	s30 =	rddreg [dreg:$0xf]  }
0x4b: {  	[tilespmem:s30], [sflag:$0x1] =	stream.indirect_vreg.gather [hbm4b:s1+s3], $0x80, v5, vm0, $0xb8;
	[tilespmem:$0x10580] =	vst v63  }
0x4c: {  	v5 =	vld [tilespmem:$0x30];
	_ =	sdelay $0x4  }
0x4d: {  	v6 =	vshll.u32 v5, $0x1  }
0x4e: {  	v5 =	vand.u32 $0x7, v5;
	v6 =	vand.u32 $0xFFFFFFF0, v6  }
0x4f: {  	v5 =	vor.u32 v5, v6  }
0x50: {  	v6 =	vperm.xlane v5, v0;
	_ =	sdelay $0x1  }
0x51: {  	v5 =	vperm.xlane v5, v2;
	v6 =	vadd.s32 v1, v6;
	_ =	sdelay $0x1  }
0x52: {  	v5 =	vadd.s32 v1, v5;
	_ =	sdelay $0x1  }
0x53: {  	s31 =	rddreg [dreg:$0x10]  }
0x54: {  	[tilespmem:s31], [sflag:$0x1] =	stream.indirect_vreg.gather [hbm4b:s1+s3], $0x80, v6, vm0, $0xb8;
	[tilespmem:$0x10580] =	vst v63  }
0x55: {  	s0 =	rddreg [dreg:$0x11]  }
0x56: {  	[tilespmem:s0], [sflag:$0x1] =	stream.indirect_vreg.gather [hbm4b:s1+s3], $0x80, v5, vm0, $0xb8;
	[tilespmem:$0x10580] =	vst v63  }
0x57: {  	v5 =	vld [tilespmem:$0x40];
	_ =	sdelay $0x4  }
0x58: {  	v6 =	vshll.u32 v5, $0x1  }
0x59: {  	v5 =	vand.u32 $0x7, v5;
	v6 =	vand.u32 $0xFFFFFFF0, v6  }
0x5a: {  	v5 =	vor.u32 v5, v6  }
0x5b: {  	v6 =	vperm.xlane v5, v0;
	_ =	sdelay $0x1  }
0x5c: {  	v5 =	vperm.xlane v5, v2;
	v6 =	vadd.s32 v1, v6;
	_ =	sdelay $0x1  }
0x5d: {  	v5 =	vadd.s32 v1, v5;
	_ =	sdelay $0x1  }
0x5e: {  	s29 =	rddreg [dreg:$0x12]  }
0x5f: {  	[tilespmem:s29], [sflag:$0x1] =	stream.indirect_vreg.gather [hbm4b:s1+s3], $0x80, v6, vm0, $0xb8;
	[tilespmem:$0x10580] =	vst v63  }
0x60: {  	s30 =	rddreg [dreg:$0x13]  }
0x61: {  	[tilespmem:s30], [sflag:$0x1] =	stream.indirect_vreg.gather [hbm4b:s1+s3], $0x80, v5, vm0, $0xb8;
	[tilespmem:$0x10580] =	vst v63  }
0x62: {  	v5 =	vld [tilespmem:$0x50];
	_ =	sdelay $0x4  }
0x63: {  	v6 =	vshll.u32 v5, $0x1  }
0x64: {  	v5 =	vand.u32 $0x7, v5;
	v6 =	vand.u32 $0xFFFFFFF0, v6  }
0x65: {  	v5 =	vor.u32 v5, v6  }
0x66: {  	v6 =	vperm.xlane v5, v0;
	_ =	sdelay $0x1  }
0x67: {  	v5 =	vperm.xlane v5, v2;
	v6 =	vadd.s32 v1, v6;
	_ =	sdelay $0x1  }
0x68: {  	v5 =	vadd.s32 v1, v5;
	_ =	sdelay $0x1  }
0x69: {  	s31 =	rddreg [dreg:$0x14]  }
0x6a: {  	[tilespmem:s31], [sflag:$0x1] =	stream.indirect_vreg.gather [hbm4b:s1+s3], $0x80, v6, vm0, $0xb8;
	[tilespmem:$0x10580] =	vst v63  }
0x6b: {  	s0 =	rddreg [dreg:$0x15]  }
0x6c: {  	[tilespmem:s0], [sflag:$0x1] =	stream.indirect_vreg.gather [hbm4b:s1+s3], $0x80, v5, vm0, $0xb8;
	[tilespmem:$0x10580] =	vst v63  }
0x6d: {  	v5 =	vld [tilespmem:$0x60];
	_ =	sdelay $0x4  }
0x6e: {  	v6 =	vshll.u32 v5, $0x1  }
0x6f: {  	v5 =	vand.u32 $0x7, v5;
	v6 =	vand.u32 $0xFFFFFFF0, v6  }
0x70: {  	v5 =	vor.u32 v5, v6  }
0x71: {  	v6 =	vperm.xlane v5, v0;
	_ =	sdelay $0x1  }
0x72: {  	v5 =	vperm.xlane v5, v2;
	v6 =	vadd.s32 v1, v6;
	_ =	sdelay $0x1  }
0x73: {  	v5 =	vadd.s32 v1, v5;
	_ =	sdelay $0x1  }
0x74: {  	s29 =	rddreg [dreg:$0x16]  }
0x75: {  	[tilespmem:s29], [sflag:$0x1] =	stream.indirect_vreg.gather [hbm4b:s1+s3], $0x80, v6, vm0, $0xb8;
	[tilespmem:$0x10580] =	vst v63  }
0x76: {  	s30 =	rddreg [dreg:$0x17]  }
0x77: {  	[tilespmem:s30], [sflag:$0x1] =	stream.indirect_vreg.gather [hbm4b:s1+s3], $0x80, v5, vm0, $0xb8;
	[tilespmem:$0x10580] =	vst v63  }
0x78: {  	v5 =	vld [tilespmem:$0x70];
	_ =	sdelay $0x4  }
0x79: {  	v6 =	vshll.u32 v5, $0x1  }
0x7a: {  	v5 =	vand.u32 $0x7, v5;
	v6 =	vand.u32 $0xFFFFFFF0, v6  }
0x7b: {  	v5 =	vor.u32 v5, v6  }
0x7c: {  	v6 =	vperm.xlane v5, v0;
	_ =	sdelay $0x1  }
0x7d: {  	v5 =	vperm.xlane v5, v2;
	v6 =	vadd.s32 v1, v6;
	_ =	sdelay $0x1  }
0x7e: {  	v5 =	vadd.s32 v1, v5;
	_ =	sdelay $0x1  }
0x7f: {  	s31 =	rddreg [dreg:$0x18]  }
0x80: {  	[tilespmem:s31], [sflag:$0x1] =	stream.indirect_vreg.gather [hbm4b:s1+s3], $0x80, v6, vm0, $0xb8;
	[tilespmem:$0x10580] =	vst v63  }
0x81: {  	s0 =	rddreg [dreg:$0x19]  }
0x82: {  	[tilespmem:s0], [sflag:$0x1] =	stream.indirect_vreg.gather [hbm4b:s1+s3], $0x80, v5, vm0, $0xb8;
	[tilespmem:$0x10580] =	vst v63  }
0x83: {  	v5 =	vld [tilespmem:$0x80];
	_ =	sdelay $0x4  }
0x84: {  	v6 =	vshll.u32 v5, $0x1  }
0x85: {  	v5 =	vand.u32 $0x7, v5;
	v6 =	vand.u32 $0xFFFFFFF0, v6  }
0x86: {  	v5 =	vor.u32 v5, v6  }
0x87: {  	v6 =	vperm.xlane v5, v0;
	_ =	sdelay $0x1  }
0x88: {  	v5 =	vperm.xlane v5, v2;
	v6 =	vadd.s32 v1, v6;
	_ =	sdelay $0x1  }
0x89: {  	v5 =	vadd.s32 v1, v5;
	_ =	sdelay $0x2  }
0x8a: {  	[tilespmem:s8], [sflag:$0x1] =	stream.indirect_vreg.gather [hbm4b:s1+s3], $0x80, v6, vm0, $0xb8;
	[tilespmem:$0x10580] =	vst v63  }
0x8b: {  	s28 =	rddreg [dreg:$0x1a]  }
0x8c: {  	[tilespmem:s28], [sflag:$0x1] =	stream.indirect_vreg.gather [hbm4b:s1+s3], $0x80, v5, vm0, $0xb8;
	[tilespmem:$0x10580] =	vst v63  }
0x8d: {  	v5 =	vld [tilespmem:$0x90];
	_ =	sdelay $0x4  }
0x8e: {  	v6 =	vshll.u32 v5, $0x1  }
0x8f: {  	v5 =	vand.u32 $0x7, v5;
	v6 =	vand.u32 $0xFFFFFFF0, v6  }
0x90: {  	v5 =	vor.u32 v5, v6  }
0x91: {  	v6 =	vperm.xlane v5, v0;
	_ =	sdelay $0x1  }
0x92: {  	v5 =	vperm.xlane v5, v2;
	v6 =	vadd.s32 v1, v6;
	_ =	sdelay $0x1  }
0x93: {  	v5 =	vadd.s32 v1, v5;
	_ =	sdelay $0x2  }
0x94: {  	[tilespmem:s9], [sflag:$0x1] =	stream.indirect_vreg.gather [hbm4b:s1+s3], $0x80, v6, vm0, $0xb8;
	[tilespmem:$0x10580] =	vst v63  }
0x95: {  	_ = 	snop  }
0x96: {  	[tilespmem:s10], [sflag:$0x1] =	stream.indirect_vreg.gather [hbm4b:s1+s3], $0x80, v5, vm0, $0xb8;
	[tilespmem:$0x10580] =	vst v63  }
0x97: {  	v5 =	vld [tilespmem:$0xA0];
	_ =	sdelay $0x4  }
0x98: {  	v6 =	vshll.u32 v5, $0x1  }
0x99: {  	v5 =	vand.u32 $0x7, v5;
	v6 =	vand.u32 $0xFFFFFFF0, v6  }
0x9a: {  	v5 =	vor.u32 v5, v6  }
0x9b: {  	v6 =	vperm.xlane v5, v0;
	_ =	sdelay $0x1  }
0x9c: {  	v5 =	vperm.xlane v5, v2;
	v6 =	vadd.s32 v1, v6;
	_ =	sdelay $0x1  }
0x9d: {  	v5 =	vadd.s32 v1, v5;
	_ =	sdelay $0x2  }
0x9e: {  	[tilespmem:s11], [sflag:$0x1] =	stream.indirect_vreg.gather [hbm4b:s1+s3], $0x80, v6, vm0, $0xb8;
	[tilespmem:$0x10580] =	vst v63  }
0x9f: {  	_ = 	snop  }
0xa0: {  	[tilespmem:s12], [sflag:$0x1] =	stream.indirect_vreg.gather [hbm4b:s1+s3], $0x80, v5, vm0, $0xb8;
	[tilespmem:$0x10580] =	vst v63  }
0xa1: {  	v5 =	vld [tilespmem:$0xB0];
	_ =	sdelay $0x4  }
0xa2: {  	v6 =	vshll.u32 v5, $0x1  }
0xa3: {  	v5 =	vand.u32 $0x7, v5;
	v6 =	vand.u32 $0xFFFFFFF0, v6  }
0xa4: {  	v5 =	vor.u32 v5, v6  }
0xa5: {  	v6 =	vperm.xlane v5, v0;
	_ =	sdelay $0x1  }
0xa6: {  	v5 =	vperm.xlane v5, v2;
	v6 =	vadd.s32 v1, v6;
	_ =	sdelay $0x1  }
0xa7: {  	v5 =	vadd.s32 v1, v5;
	_ =	sdelay $0x2  }
0xa8: {  	[tilespmem:s13], [sflag:$0x1] =	stream.indirect_vreg.gather [hbm4b:s1+s3], $0x80, v6, vm0, $0xb8;
	[tilespmem:$0x10580] =	vst v63  }
0xa9: {  	_ = 	snop  }
0xaa: {  	[tilespmem:s14], [sflag:$0x1] =	stream.indirect_vreg.gather [hbm4b:s1+s3], $0x80, v5, vm0, $0xb8;
	[tilespmem:$0x10580] =	vst v63  }
0xab: {  	v5 =	vld [tilespmem:$0xC0];
	_ =	sdelay $0x4  }
0xac: {  	v6 =	vshll.u32 v5, $0x1  }
0xad: {  	v5 =	vand.u32 $0x7, v5;
	v6 =	vand.u32 $0xFFFFFFF0, v6  }
0xae: {  	v5 =	vor.u32 v5, v6  }
0xaf: {  	v6 =	vperm.xlane v5, v0;
	_ =	sdelay $0x1  }
0xb0: {  	v5 =	vperm.xlane v5, v2;
	v6 =	vadd.s32 v1, v6;
	_ =	sdelay $0x1  }
0xb1: {  	v5 =	vadd.s32 v1, v5;
	_ =	sdelay $0x2  }
0xb2: {  	[tilespmem:s15], [sflag:$0x1] =	stream.indirect_vreg.gather [hbm4b:s1+s3], $0x80, v6, vm0, $0xb8;
	[tilespmem:$0x10580] =	vst v63  }
0xb3: {  	_ = 	snop  }
0xb4: {  	[tilespmem:s16], [sflag:$0x1] =	stream.indirect_vreg.gather [hbm4b:s1+s3], $0x80, v5, vm0, $0xb8;
	[tilespmem:$0x10580] =	vst v63  }
0xb5: {  	v5 =	vld [tilespmem:$0xD0];
	_ =	sdelay $0x4  }
0xb6: {  	v6 =	vshll.u32 v5, $0x1  }
0xb7: {  	v5 =	vand.u32 $0x7, v5;
	v6 =	vand.u32 $0xFFFFFFF0, v6  }
0xb8: {  	v5 =	vor.u32 v5, v6  }
0xb9: {  	v6 =	vperm.xlane v5, v0;
	_ =	sdelay $0x1  }
0xba: {  	v5 =	vperm.xlane v5, v2;
	v6 =	vadd.s32 v1, v6;
	_ =	sdelay $0x1  }
0xbb: {  	v5 =	vadd.s32 v1, v5;
	_ =	sdelay $0x2  }
0xbc: {  	[tilespmem:s17], [sflag:$0x1] =	stream.indirect_vreg.gather [hbm4b:s1+s3], $0x80, v6, vm0, $0xb8;
	[tilespmem:$0x10580] =	vst v63  }
0xbd: {  	_ = 	snop  }
0xbe: {  	[tilespmem:s18], [sflag:$0x1] =	stream.indirect_vreg.gather [hbm4b:s1+s3], $0x80, v5, vm0, $0xb8;
	[tilespmem:$0x10580] =	vst v63  }
0xbf: {  	v5 =	vld [tilespmem:$0xE0];
	_ =	sdelay $0x4  }
0xc0: {  	v6 =	vshll.u32 v5, $0x1  }
0xc1: {  	v5 =	vand.u32 $0x7, v5;
	v6 =	vand.u32 $0xFFFFFFF0, v6  }
0xc2: {  	v5 =	vor.u32 v5, v6  }
0xc3: {  	v6 =	vperm.xlane v5, v0;
	_ =	sdelay $0x1  }
0xc4: {  	v5 =	vperm.xlane v5, v2;
	v6 =	vadd.s32 v1, v6;
	_ =	sdelay $0x1  }
0xc5: {  	v5 =	vadd.s32 v1, v5;
	_ =	sdelay $0x2  }
0xc6: {  	[tilespmem:s19], [sflag:$0x1] =	stream.indirect_vreg.gather [hbm4b:s1+s3], $0x80, v6, vm0, $0xb8;
	[tilespmem:$0x10580] =	vst v63  }
0xc7: {  	_ = 	snop  }
0xc8: {  	[tilespmem:s20], [sflag:$0x1] =	stream.indirect_vreg.gather [hbm4b:s1+s3], $0x80, v5, vm0, $0xb8;
	[tilespmem:$0x10580] =	vst v63  }
0xc9: {  	v5 =	vld [tilespmem:$0xF0];
	_ =	sdelay $0x4  }
0xca: {  	v6 =	vshll.u32 v5, $0x1  }
0xcb: {  	v5 =	vand.u32 $0x7, v5;
	v6 =	vand.u32 $0xFFFFFFF0, v6  }
0xcc: {  	v5 =	vor.u32 v5, v6  }
0xcd: {  	v6 =	vperm.xlane v5, v0;
	_ =	sdelay $0x1  }
0xce: {  	v5 =	vperm.xlane v5, v2;
	v6 =	vadd.s32 v1, v6;
	_ =	sdelay $0x1  }
0xcf: {  	v5 =	vadd.s32 v1, v5;
	_ =	sdelay $0x2  }
0xd0: {  	[tilespmem:s21], [sflag:$0x1] =	stream.indirect_vreg.gather [hbm4b:s1+s3], $0x80, v6, vm0, $0xb8;
	[tilespmem:$0x10580] =	vst v63  }
0xd1: {  	_ = 	snop  }
0xd2: {  	[tilespmem:s22], [sflag:$0x1] =	stream.indirect_vreg.gather [hbm4b:s1+s3], $0x80, v5, vm0, $0xb8;
	[tilespmem:$0x10580] =	vst v63  }
0xd3: {  	[tilespmem:$0x10100] =	vst v3  }
0xd4: {  	[tilespmem:$0x10110] =	vst v3  }
0xd5: {  	[tilespmem:$0x10120] =	vst v3  }
0xd6: {  	[tilespmem:$0x10130] =	vst v3  }
0xd7: {  	[tilespmem:$0x10140] =	vst v3  }
0xd8: {  	[tilespmem:$0x10150] =	vst v3  }
0xd9: {  	[tilespmem:$0x10160] =	vst v3  }
0xda: {  	[tilespmem:$0x10170] =	vst v3  }
0xdb: {  	[tilespmem:$0x10180] =	vst v3  }
0xdc: {  	[tilespmem:$0x10190] =	vst v3  }
0xdd: {  	[tilespmem:$0x101A0] =	vst v3  }
0xde: {  	[tilespmem:$0x101B0] =	vst v3  }
0xdf: {  	[tilespmem:$0x101C0] =	vst v3  }
0xe0: {  	[tilespmem:$0x101D0] =	vst v3  }
0xe1: {  	[tilespmem:$0x101E0] =	vst v3  }
0xe2: {  	[tilespmem:$0x101F0] =	vst v3  }
0xe3: {  	[tilespmem:$0x10200] =	vst v3  }
0xe4: {  	[tilespmem:$0x10210] =	vst v3  }
0xe5: {  	[tilespmem:$0x10220] =	vst v3  }
0xe6: {  	[tilespmem:$0x10230] =	vst v3  }
0xe7: {  	[tilespmem:$0x10240] =	vst v3  }
0xe8: {  	[tilespmem:$0x10250] =	vst v3  }
0xe9: {  	[tilespmem:$0x10260] =	vst v3  }
0xea: {  	[tilespmem:$0x10270] =	vst v3  }
0xeb: {  	[tilespmem:$0x10280] =	vst v3  }
0xec: {  	[tilespmem:$0x10290] =	vst v3  }
0xed: {  	[tilespmem:$0x102A0] =	vst v3  }
0xee: {  	[tilespmem:$0x102B0] =	vst v3  }
0xef: {  	[tilespmem:$0x102C0] =	vst v3  }
0xf0: {  	[tilespmem:$0x102D0] =	vst v3  }
0xf1: {  	[tilespmem:$0x102E0] =	vst v3  }
0xf2: {  	[tilespmem:$0x102F0] =	vst v3  }
0xf3: {  	[tilespmem:$0x10300] =	vst v4  }
0xf4: {  	[tilespmem:$0x10310] =	vst v4  }
0xf5: {  	[tilespmem:$0x10320] =	vst v4  }
0xf6: {  	[tilespmem:$0x10330] =	vst v4  }
0xf7: {  	[tilespmem:$0x10340] =	vst v4  }
0xf8: {  	[tilespmem:$0x10350] =	vst v4  }
0xf9: {  	[tilespmem:$0x10360] =	vst v4  }
0xfa: {  	s29 =	rddreg [dreg:$0x7];
	[tilespmem:$0x10370] =	vst v4  }
0xfb: {  	[spmem:s29] =	stream.linear.scatter [tilespmem:s23], [sflag:$0x2], $0x200, $0x38;
	[tilespmem:$0x10580] =	vst v63  }
0xfc: {  	_ =	swait.ge [sflag:s5], $0x200  }
0xfd: {  	[sflag:s5] =	ssyncset.done $0x0  }
0xfe: {  	[sflag:s5] =	ssyncadd.s32 $0xFFFFFE00  }
0xff: {  	[bflag:$0x0] =	sbarrier.arrive $0xFFFF  }
0x100: {  	[spmem:s2] =	stream.indirect.scatter.add.f32 [tilespmem:s24], [sflag:$0x2], $0x1, s3, s6, $0xb8;
	[tilespmem:$0x10580] =	vst v63  }
0x101: {  	_ =	swait.ge [sflag:s5], $0x80  }
0x102: {  	[sflag:s5] =	ssyncset.done $0x0  }
0x103: {  	[sflag:s5] =	ssyncadd.s32 $0xFFFFFF80  }
0x104: {  	[spmem:s2] =	stream.indirect.scatter.add.f32 [tilespmem:s24], [sflag:$0x2], $0x1, s6, s6, $0xb8;
	[tilespmem:$0x10580] =	vst v63  }
0x105: {  	_ =	swait.ge [sflag:s5], $0x80  }
0x106: {  	[sflag:s5] =	ssyncset.done $0x0  }
0x107: {  	[sflag:s5] =	ssyncadd.s32 $0xFFFFFF80  }
0x108: {  	_ =	swait.ge [sflag:s25], $0x8000  }
0x109: {  	[sflag:s25] =	ssyncset.done $0x0  }
0x10a: {  	[sflag:s25] =	ssyncadd.s32 $0xFFFF8000  }
0x10b: {  	_ =	swait.ge [sflag:s25], $0x8000  }
0x10c: {  	[sflag:s25] =	ssyncset.done $0x0  }
0x10d: {  	s30 =	rddreg [dreg:$0x8];
	[sflag:s25] =	ssyncadd.s32 $0xFFFF8000  }
0x10e: {  	[hbm4b:s30+s3] =	stream.linear.scatter [tilespmem:s7], [sflag:$0x2], $0x8000, $0x38;
	[tilespmem:$0x10580] =	vst v63  }
0x10f: {  	_ =	swait.ge [sflag:s5], $0x8000  }
0x110: {  	[sflag:s5] =	ssyncset.done $0x0  }
0x111: {  	s31 =	rddreg [dreg:$0x9];
	[sflag:s5] =	ssyncadd.s32 $0xFFFF8000  }
0x112: {  	[hbm4b:s31+s3] =	stream.linear.scatter [tilespmem:s8], [sflag:$0x2], $0x8000, $0x38;
	[tilespmem:$0x10580] =	vst v63  }
0x113: {  	_ =	swait.ge [sflag:s5], $0x8000  }
0x114: {  	s4 =	sadd.s32 $0xFFFFFFFF, s4;
	[sflag:s5] =	ssyncset.done $0x0  }
0x115: {  	p1 =	sne.s32 s4, $0x0;
	s0 =	simm.s32 @!p0 $0x1C02;
	[sflag:s5] =	ssyncadd.s32 $0xFFFF8000  }
0x116: {  	s28 =	sshrl.u32 @!p0 s2, $0x3;
	s29 =	simm.s32 @!p0 $0x1;
	[bflag:$0x0] =	sbarrier.arrive $0xFFFF  }
0x117: {  	s30 =	simm.s32 @!p0 $0x20;
	s31 =	simm.s32 @!p0 $0x10;
	s26 =	rddreg [dreg:$0xa]  }
0x118: {  	[hbm:s26@s30], [sflag:s0] =	dma.strided @!p0 [spmem:s28@s31], $0x400, s29, $0x10   }
.Ltmp0:
0x119: {  	_ = 	snop;
	(pc) =	sbr.rel @p1 .LBB2_1-.Ltmp0, $4  }
0x11a: {  	s0 =	simm.s32 @!p0 $0x2  }
0x11b: {  	_ =	swait.ge @!p0 [sflag:s0], $0x400  }
0x11c: {  	[sflag:s0] =	ssyncset.done @!p0 $0x0  }
0x11d: {  	[sflag:s0] =	ssyncadd.s32 @!p0 $0xFFFFFC00  }
0x11e: {  	_ =	sfence.sel $0x180000  }
0x11f: {  	[bflag:$0x0] =	sbarrier.arrive $0xFFFF  }
0x120: {  	_ =	strace $0x90000047  }
0x121: {  	[bflag:$0x2] =	sbarrier.arrive $0xFFFF  }
0x122: {  	s0 =	rddreg [dreg:$0x4]  }
0x123: {  	s0 =	sadd.s32 @!p0 $0x100000, s0  }
0x124: {  	[sflag:s0] =	ssyncadd.tile.s32 @!p0 $0x1;
	_ =	shalt  }
.Lfunc_end2:
_tile_overlayer_lowered:
.L_overlay_start_2:
0x125: {  	(tag) =	ssettag $0x2  }
0x126: {  	s0 =	rddreg [dreg:$0x0];
	s2 =	stileid.u32  }
0x127: {  	s1 =	rddreg [dreg:$0x1];
	p0 =	sne.s32 s2, $0x0  }
0x128: {  	s3 =	rddreg [dreg:$0x2];
	[bflag:$0x3] =	sbarrier.arrive $0xFFFF;
	s2 =	simm.s32 @!p0 $0x1C02  }
0x129: {  	[timem:s3], [sflag:s2] =	dma.local @!p0 [hbm:s0], s1  }
0x12a: {  	s0 =	simm.s32 @!p0 $0x2  }
0x12b: {  	_ =	swait.ge @!p0 [sflag:s0], s1  }
0x12c: {  	s1 =	ssub.s32 @!p0 $0x0, s1;
	[sflag:s0] =	ssyncset.done @!p0 $0x0  }
0x12d: {  	[sflag:s0] =	ssyncadd.s32 @!p0 s1  }
0x12e: {  	[bflag:$0x3] =	sbarrier.arrive $0xFFFF  }
0x12f: {  	_ =	shalt  }

</sc_bundles>
